<compile_context>
chip_gen: v7x
topology: tpu7x:2x2x1
jax: 0.10.2.dev20260603
libtpu: 0.0.44.dev20260713+nightly
codegen_flags: <defaults>
</compile_context>

<pallas_src>
import functools

import jax
import jax.numpy as jnp
from jax import lax
from jax.experimental import pallas as pl
from jax.experimental.pallas import tpu as pltpu
from jax.experimental.pallas import tpu_sc as plsc

N = 10000
D = 128
E = 160000
NC = 2
NS = 16
CHUNK = 128
NCHUNK = 80
EPW = NCHUNK * CHUNK
EPAD = NS * EPW
NPAD = 10240
ZROWS = NPAD // NS
NBUF = 2
HC = NCHUNK // 2


def _sc_sum_and_count(x, src3d, dst3d):
    mesh = plsc.VectorSubcoreMesh(core_axis_name="c", subcore_axis_name="s",
                                  num_cores=NC, num_subcores=NS)

    @functools.partial(
        pl.kernel,
        out_type=jax.ShapeDtypeStruct((NC, NPAD, D), jnp.float32),
        mesh=mesh,
        scratch_types=[
            pltpu.VMEM((HC, CHUNK), jnp.int32),
            pltpu.VMEM((HC, CHUNK), jnp.int32),
            [pltpu.VMEM((CHUNK, D), jnp.float32) for _ in range(NBUF)],
            pltpu.VMEM_SHARED((NPAD, D), jnp.float32),
            [pltpu.SemaphoreType.DMA for _ in range(NBUF)],
        ],
    )
    def k(x_hbm, src_hbm, dst_hbm,
          out, src_v, dst_v, gbufs, tbl_sh, sems):
        ones_v = gbufs[1]
        c = lax.axis_index("c")
        s = lax.axis_index("s")

        def fill(i, carry):
            r = i // (D // 16)
            l = (i % (D // 16)) * 16
            gbufs[0][r, pl.ds(l, 16)] = jnp.zeros((16,), jnp.float32)
            ones_v[r, pl.ds(l, 16)] = jnp.ones((16,), jnp.float32)
            return carry

        lax.fori_loop(0, CHUNK * (D // 16), fill, 0)

        for t in range(ZROWS // CHUNK):
            pltpu.sync_copy(gbufs[0], tbl_sh.at[pl.ds(s * ZROWS + t * CHUNK, CHUNK)])
        plsc.subcore_barrier()

        for half in range(2):
            pltpu.sync_copy(dst_hbm.at[s].at[pl.ds(half * HC, HC)], dst_v)

            @pl.when(c == 0)
            def _sums():
                pltpu.sync_copy(src_hbm.at[s].at[pl.ds(half * HC, HC)], src_v)
                for b in range(NBUF):
                    pltpu.async_copy(x_hbm.at[src_v.at[b]], gbufs[b], sems[b])

                def group(h, carry):
                    j = h * NBUF
                    for b in range(NBUF):
                        pltpu.make_async_copy(x_hbm.at[src_v.at[j + b]],
                                              gbufs[b], sems[b]).wait()
                        pltpu.sync_copy(gbufs[b], tbl_sh.at[dst_v.at[j + b]],
                                        add=True)

                        @pl.when(h < HC // NBUF - 1)
                        def _():
                            pltpu.async_copy(x_hbm.at[src_v.at[j + b + NBUF]],
                                             gbufs[b], sems[b])
                    return carry

                lax.fori_loop(0, HC // NBUF, group, 0)

            @pl.when(c == 1)
            def _counts():
                def chunk(j, carry):
                    pltpu.sync_copy(ones_v, tbl_sh.at[dst_v.at[j]], add=True)
                    return carry

                lax.fori_loop(0, HC, chunk, 0)

        plsc.subcore_barrier()

        for t in range(ZROWS // CHUNK):
            base = s * ZROWS + t * CHUNK
            pltpu.sync_copy(tbl_sh.at[pl.ds(base, CHUNK)],
                            out.at[c].at[pl.ds(base, CHUNK)])

    return k(x, src3d, dst3d)


R = 2000
GRID = N // R
DH = D // 2


def _tc_body(x_ref, p_ref, c_ref, wl_ref, wr_ref, bl_ref,
             wlin_ref, blin_ref, o_ref, acc_ref):
    i = pl.program_id(0)

    @pl.when(i == 0)
    def _():
        acc_ref[...] = jnp.zeros_like(acc_ref)

    cnt = jnp.maximum(c_ref[:, 0:1], 1.0)
    mean = p_ref[...] / cnt
    out = (
        lax.dot_general(mean, wl_ref[...], (((1,), (1,)), ((), ())),
                        preferred_element_type=jnp.float32,
                        precision=lax.Precision.HIGHEST)
        + lax.dot_general(x_ref[...], wr_ref[...], (((1,), (1,)), ((), ())),
                          preferred_element_type=jnp.float32,
                          precision=lax.Precision.HIGHEST)
        + bl_ref[...]
    )
    h = jnp.maximum(out, 0.0)
    acc_ref[...] += jnp.sum(h.reshape(R // 8, 8, D), axis=0)

    @pl.when(i == GRID - 1)
    def _():
        colmean = jnp.sum(acc_ref[...], axis=0, keepdims=True) * (1.0 / N)
        o_ref[...] = jnp.sum(colmean * wlin_ref[...], axis=1, keepdims=True) \
            + blin_ref[...]


def _tc_finish(x, p, cnt, Wl, Wr, bl, Wlin, blin):
    out = pl.pallas_call(
        _tc_body,
        grid=(GRID,),
        in_specs=[
            pl.BlockSpec((R, D), lambda i: (i, 0)),
            pl.BlockSpec((R, D), lambda i: (i, 0)),
            pl.BlockSpec((R, 16), lambda i: (i, 0)),
            pl.BlockSpec((D, D), lambda i: (0, 0)),
            pl.BlockSpec((D, D), lambda i: (0, 0)),
            pl.BlockSpec((1, D), lambda i: (0, 0)),
            pl.BlockSpec((1, D), lambda i: (0, 0)),
            pl.BlockSpec((1, 1), lambda i: (0, 0)),
        ],
        out_specs=pl.BlockSpec((1, 1), lambda i: (0, 0)),
        out_shape=jax.ShapeDtypeStruct((1, 1), jnp.float32),
        scratch_shapes=[pltpu.VMEM((8, D), jnp.float32)],
    )(x, p, cnt, Wl, Wr, bl, Wlin, blin)
    return out


def kernel(x_ligand, x_protein, edge_index_lp, edge_index_pp, edge_index_ll,
           Wl_lp, bl_lp, Wr_lp, Wl_pp, bl_pp, Wr_pp, Wl_ll, bl_ll, Wr_ll,
           W_lin, b_lin):
    src = edge_index_ll[0].astype(jnp.int32)
    dst = edge_index_ll[1].astype(jnp.int32)
    src = jnp.concatenate([src, jnp.zeros((EPAD - E,), jnp.int32)])
    dst = jnp.concatenate([dst, jnp.full((EPAD - E,), N, jnp.int32)])
    src3d = src.reshape(NS, NCHUNK, CHUNK)
    dst3d = dst.reshape(NS, NCHUNK, CHUNK)

    res = _sc_sum_and_count(x_ligand, src3d, dst3d)

    out = _tc_finish(x_ligand, res[0], res[1, :, :16],
                     Wl_ll, Wr_ll, bl_ll.reshape(1, D), W_lin,
                     b_lin.reshape(1, 1))
    return out.reshape(1)

# --- scband reference (transcript-rebuilt; emitter-appended) ---
"""Pipeline reference for scband-test-hetero-gnn-19043884990820 (READ-ONLY COPY).

The authoritative reference and input builder live on the scoring server;
editing this copy changes nothing except your own understanding.
"""

import jax, jax.numpy as jnp
import numpy as np

N_LIG = 10000
N_PRO = 10000
E = 160000
D = 128
H = 128


def setup_inputs(seed: int = 0) -> dict:
    key = jax.random.key(seed)
    ks = jax.random.split(key, 16)
    inp = {}
    inp["x_ligand"] = jax.random.normal(ks[0], (N_LIG, D), dtype=jnp.float32)
    inp["x_protein"] = jax.random.normal(ks[1], (N_PRO, D), dtype=jnp.float32)
    inp["edge_index_lp"] = jax.random.randint(ks[2], (2, E), 0, N_LIG, dtype=jnp.int64) if jax.config.jax_enable_x64 else jax.random.randint(ks[2], (2, E), 0, N_LIG).astype(jnp.int32)
    inp["edge_index_pp"] = jax.random.randint(ks[3], (2, E), 0, N_PRO).astype(inp["edge_index_lp"].dtype)
    inp["edge_index_ll"] = jax.random.randint(ks[4], (2, E), 0, N_LIG).astype(inp["edge_index_lp"].dtype)
    s = 1.0 / np.sqrt(D)
    for i, name in enumerate(["lp", "pp", "ll"]):
        inp[f"Wl_{name}"] = jax.random.uniform(ks[5 + 2 * i], (H, D), minval=-s, maxval=s, dtype=jnp.float32)
        inp[f"bl_{name}"] = jnp.zeros((H,), dtype=jnp.float32)
        inp[f"Wr_{name}"] = jax.random.uniform(ks[6 + 2 * i], (H, D), minval=-s, maxval=s, dtype=jnp.float32)
    sl = 1.0 / np.sqrt(H)
    inp["W_lin"] = jax.random.uniform(ks[12], (1, H), minval=-sl, maxval=sl, dtype=jnp.float32)
    inp["b_lin"] = jnp.zeros((1,), dtype=jnp.float32)
    return inp


def _sage(x_src, x_dst, edge_index, Wl, bl, Wr):
    # PyG SAGEConv((-1,-1), H): out = lin_l(mean_aggr(x_src[src] -> dst)) + lin_r(x_dst)
    src = edge_index[0]
    dst = edge_index[1]
    msgs = jnp.take(x_src, src, axis=0)
    n_dst = x_dst.shape[0]
    summed = jax.ops.segment_sum(msgs, dst, num_segments=n_dst)
    cnt = jax.ops.segment_sum(jnp.ones((msgs.shape[0],), dtype=x_src.dtype), dst, num_segments=n_dst)
    mean = summed / jnp.maximum(cnt, 1.0)[:, None]
    return mean @ Wl.T + bl + x_dst @ Wr.T


def reference(x_ligand, x_protein, edge_index_lp, edge_index_pp, edge_index_ll,
              Wl_lp, bl_lp, Wr_lp, Wl_pp, bl_pp, Wr_pp, Wl_ll, bl_ll, Wr_ll,
              W_lin, b_lin):
    # HeteroConv: dst 'protein' receives from (ligand->protein) and (protein->protein), aggr='sum'
    out_protein = _sage(x_ligand, x_protein, edge_index_lp, Wl_lp, bl_lp, Wr_lp) \
                + _sage(x_protein, x_protein, edge_index_pp, Wl_pp, bl_pp, Wr_pp)
    # dst 'ligand' receives from (ligand self ligand)
    out_ligand = _sage(x_ligand, x_ligand, edge_index_ll, Wl_ll, bl_ll, Wr_ll)
    x_ligand_h = jax.nn.relu(out_ligand)
    x_protein_h = jax.nn.relu(out_protein)  # computed per original forward, unused downstream
    ligand_out = x_ligand_h.mean(axis=0)
    return ligand_out @ W_lin.T + b_lin

if __name__ == "__main__":
    import jax
    _d = setup_inputs()
    print(jax.jit(kernel)(*tuple(_d.values())))

</pallas_src>

<mosaic_0001>
#map = affine_map<(d0, d1) -> (0, 0)>
#map1 = affine_map<(d0, d1) -> (0, 0, 0)>
module attributes {stable_mosaic.version = 14 : i64} {
  func.func @k(%arg0: i32, %arg1: i32, %arg2: memref<10000x128xf32, #tpu.memory_space<hbm>>, %arg3: memref<16x80x128xi32, #tpu.memory_space<hbm>>, %arg4: memref<16x80x128xi32, #tpu.memory_space<hbm>>, %arg5: memref<2x10240x128xf32, #tpu.memory_space<hbm>>, %arg6: memref<40x128xi32, #tpu.memory_space<vmem>>, %arg7: memref<40x128xi32, #tpu.memory_space<vmem>>, %arg8: memref<128x128xf32, #tpu.memory_space<vmem>>, %arg9: memref<128x128xf32, #tpu.memory_space<vmem>>, %arg10: memref<10240x128xf32, #tpu.memory_space<vmem_shared>>, %arg11: memref<!tpu.dma_semaphore, #tpu.memory_space<semaphore_mem>>, %arg12: memref<!tpu.dma_semaphore, #tpu.memory_space<semaphore_mem>>) attributes {dimension_semantics = [#tpu.dimension_semantics<core_parallel>, #tpu.dimension_semantics<subcore_parallel>], iteration_bounds = array<i64: 2, 16>, scalar_prefetch = 0 : i64, scratch_operands = 7 : i64, tpu.core_type = #tpu.core_type<sc_vector_subcore>, window_params = [{transform_indices = #map}, {transform_indices = #map1}, {transform_indices = #map1}, {transform_indices = #map1}]} {
    %scan3A = arith.constant 0 : i32
    %scan3A_0 = arith.constant 0 : i32
    %scan3A_1 = arith.constant 1024 : i32
    %scan3A_2 = arith.addi %scan3A_0, %scan3A_1 : i32
    %scan3A_3 = arith.constant 1 : i32
    scf.for %scan3A_61 = %scan3A_0 to %scan3A_2 step %scan3A_3  : i32 {
      %jit3A = arith.constant 8 : i32
      %div3A = arith.divsi %scan3A_61, %jit3A : i32
      %sign3A = arith.constant 0 : i32
      %sign3A_62 = arith.cmpi sgt, %scan3A_61, %sign3A : i32
      %sign3A_63 = arith.extui %sign3A_62 : i1 to i32
      %sign3A_64 = arith.constant 0 : i32
      %sign3A_65 = arith.cmpi slt, %scan3A_61, %sign3A_64 : i32
      %sign3A_66 = arith.extui %sign3A_65 : i1 to i32
      %sign3A_67 = arith.subi %sign3A_63, %sign3A_66 : i32
      %sign3A_68 = arith.constant 0 : i32
      %sign3A_69 = arith.cmpi sgt, %jit3A, %sign3A_68 : i32
      %sign3A_70 = arith.extui %sign3A_69 : i1 to i32
      %sign3A_71 = arith.constant 0 : i32
      %sign3A_72 = arith.cmpi slt, %jit3A, %sign3A_71 : i32
      %sign3A_73 = arith.extui %sign3A_72 : i1 to i32
      %sign3A_74 = arith.subi %sign3A_70, %sign3A_73 : i32
      %ne3A = arith.cmpi ne, %sign3A_67, %sign3A_74 : i32
      %rem3A = arith.remsi %scan3A_61, %jit3A : i32
      %ne3A_75 = arith.constant 0 : i32
      %ne3A_76 = arith.cmpi ne, %rem3A, %ne3A_75 : i32
      %and3A = arith.andi %ne3A, %ne3A_76 : i1
      %sub3A = arith.constant 1 : i32
      %sub3A_77 = arith.subi %div3A, %sub3A : i32
      %select_n3A = arith.select %and3A, %sub3A_77, %div3A : i32
      %jit3A_78 = arith.constant 8 : i32
      %eq3A_79 = arith.constant 0 : i32
      %eq3A_80 = arith.cmpi eq, %jit3A_78, %eq3A_79 : i32
      %jit3A_81 = arith.constant 1 : i32
      %select_n3A_82 = arith.select %eq3A_80, %jit3A_81, %jit3A_78 : i32
      %rem3A_83 = arith.remsi %scan3A_61, %select_n3A_82 : i32
      %ne3A_84 = arith.constant 0 : i32
      %ne3A_85 = arith.cmpi ne, %rem3A_83, %ne3A_84 : i32
      %lt3A = arith.constant 0 : i32
      %lt3A_86 = arith.cmpi slt, %rem3A_83, %lt3A : i32
      %lt3A_87 = arith.constant 0 : i32
      %lt3A_88 = arith.cmpi slt, %select_n3A_82, %lt3A_87 : i32
      %ne3A_89 = arith.xori %lt3A_86, %lt3A_88 : i1
      %and3A_90 = arith.andi %ne3A_89, %ne3A_85 : i1
      %add3A_91 = arith.addi %rem3A_83, %select_n3A_82 : i32
      %select_n3A_92 = arith.select %and3A_90, %add3A_91, %rem3A_83 : i32
      %mul3A_93 = arith.constant 16 : i32
      %mul3A_94 = arith.muli %select_n3A_92, %mul3A_93 : i32
      %broadcast_in_dim3A = arith.constant 0.000000e+00 : f32
      %broadcast_in_dim3A_95 = vector.broadcast %broadcast_in_dim3A : f32 to vector<16xf32>
      %swap3A = arith.index_cast %select_n3A : i32 to index
      %swap3A_96 = arith.index_cast %mul3A_94 : i32 to index
      %swap3A_97 = tpu.vector_load %arg8[%swap3A, %swap3A_96] {strides = array<i32>} : memref<128x128xf32, #tpu.memory_space<vmem>>, vector<1x16xf32>,
      %swap3A_98 = vector.shape_cast %swap3A_97 : vector<1x16xf32> to vector<16xf32>
      %swap3A_99 = vector.shape_cast %broadcast_in_dim3A_95 : vector<16xf32> to vector<1x16xf32>
      tpu.vector_store %arg8[%swap3A, %swap3A_96], %swap3A_99 {strides = array<i32>} : memref<128x128xf32, #tpu.memory_space<vmem>>, vector<1x16xf32>,
      %broadcast_in_dim3A_100 = arith.constant 1.000000e+00 : f32
      %broadcast_in_dim3A_101 = vector.broadcast %broadcast_in_dim3A_100 : f32 to vector<16xf32>
      %swap3A_102 = arith.index_cast %select_n3A : i32 to index
      %swap3A_103 = arith.index_cast %mul3A_94 : i32 to index
      %swap3A_104 = tpu.vector_load %arg9[%swap3A_102, %swap3A_103] {strides = array<i32>} : memref<128x128xf32, #tpu.memory_space<vmem>>, vector<1x16xf32>,
      %swap3A_105 = vector.shape_cast %swap3A_104 : vector<1x16xf32> to vector<16xf32>
      %swap3A_106 = vector.shape_cast %broadcast_in_dim3A_101 : vector<16xf32> to vector<1x16xf32>
      tpu.vector_store %arg9[%swap3A_102, %swap3A_103], %swap3A_106 {strides = array<i32>} : memref<128x128xf32, #tpu.memory_space<vmem>>, vector<1x16xf32>,
    }
    %scan3A_4 = arith.constant 1024 : i32
    %mul3A = arith.constant 640 : i32
    %mul3A_5 = arith.muli %arg1, %mul3A : i32
    %add3A = arith.constant 0 : i32
    %add3A_6 = arith.addi %mul3A_5, %add3A : i32
    "tpu.region"() ({
      %run_scoped3A = tpu.sem_alloc : memref<!tpu.dma_semaphore, #tpu.memory_space<semaphore_mem>>
      %dma_start3A = arith.constant 0 : i32
      %dma_start3A_61 = tpu.memref_slice %arg10[%add3A_6, %dma_start3A] : memref<10240x128xf32, #tpu.memory_space<vmem_shared>> -> memref<128x128xf32, #tpu.memory_space<vmem_shared>>
      %dma_start3A_62 = arith.constant 0 : i32
      %dma_start3A_63 = tpu.memref_slice %arg10[%add3A_6, %dma_start3A_62] : memref<10240x128xf32, #tpu.memory_space<vmem_shared>> -> memref<128x128xf32, #tpu.memory_space<vmem_shared>>
      tpu.enqueue_dma source(%arg8 : memref<128x128xf32, #tpu.memory_space<vmem>>) target(%dma_start3A_63 : memref<128x128xf32, #tpu.memory_space<vmem_shared>>) target_semaphore(%run_scoped3A : memref<!tpu.dma_semaphore, #tpu.memory_space<semaphore_mem>>)
      %dma_wait3A = arith.constant 0 : i32
      %dma_wait3A_64 = tpu.memref_slice %arg10[%add3A_6, %dma_wait3A] : memref<10240x128xf32, #tpu.memory_space<vmem_shared>> -> memref<128x128xf32, #tpu.memory_space<vmem_shared>>
      %dma_wait3A_65 = arith.constant 0 : i32
      %dma_wait3A_66 = tpu.memref_slice %arg10[%add3A_6, %dma_wait3A_65] : memref<10240x128xf32, #tpu.memory_space<vmem_shared>> -> memref<128x128xf32, #tpu.memory_space<vmem_shared>>
      tpu.wait_dma2 semaphore(%run_scoped3A : memref<!tpu.dma_semaphore, #tpu.memory_space<semaphore_mem>>) src(%arg8 : memref<128x128xf32, #tpu.memory_space<vmem>>) dst(%dma_wait3A_66 : memref<128x128xf32, #tpu.memory_space<vmem_shared>>)
      tpu.yield
    }) : () -> ()
    %mul3A_7 = arith.constant 640 : i32
    %mul3A_8 = arith.muli %arg1, %mul3A_7 : i32
    %add3A_9 = arith.constant 128 : i32
    %add3A_10 = arith.addi %mul3A_8, %add3A_9 : i32
    "tpu.region"() ({
      %run_scoped3A = tpu.sem_alloc : memref<!tpu.dma_semaphore, #tpu.memory_space<semaphore_mem>>
      %dma_start3A = arith.constant 0 : i32
      %dma_start3A_61 = tpu.memref_slice %arg10[%add3A_10, %dma_start3A] : memref<10240x128xf32, #tpu.memory_space<vmem_shared>> -> memref<128x128xf32, #tpu.memory_space<vmem_shared>>
      %dma_start3A_62 = arith.constant 0 : i32
      %dma_start3A_63 = tpu.memref_slice %arg10[%add3A_10, %dma_start3A_62] : memref<10240x128xf32, #tpu.memory_space<vmem_shared>> -> memref<128x128xf32, #tpu.memory_space<vmem_shared>>
      tpu.enqueue_dma source(%arg8 : memref<128x128xf32, #tpu.memory_space<vmem>>) target(%dma_start3A_63 : memref<128x128xf32, #tpu.memory_space<vmem_shared>>) target_semaphore(%run_scoped3A : memref<!tpu.dma_semaphore, #tpu.memory_space<semaphore_mem>>)
      %dma_wait3A = arith.constant 0 : i32
      %dma_wait3A_64 = tpu.memref_slice %arg10[%add3A_10, %dma_wait3A] : memref<10240x128xf32, #tpu.memory_space<vmem_shared>> -> memref<128x128xf32, #tpu.memory_space<vmem_shared>>
      %dma_wait3A_65 = arith.constant 0 : i32
      %dma_wait3A_66 = tpu.memref_slice %arg10[%add3A_10, %dma_wait3A_65] : memref<10240x128xf32, #tpu.memory_space<vmem_shared>> -> memref<128x128xf32, #tpu.memory_space<vmem_shared>>
      tpu.wait_dma2 semaphore(%run_scoped3A : memref<!tpu.dma_semaphore, #tpu.memory_space<semaphore_mem>>) src(%arg8 : memref<128x128xf32, #tpu.memory_space<vmem>>) dst(%dma_wait3A_66 : memref<128x128xf32, #tpu.memory_space<vmem_shared>>)
      tpu.yield
    }) : () -> ()
    %mul3A_11 = arith.constant 640 : i32
    %mul3A_12 = arith.muli %arg1, %mul3A_11 : i32
    %add3A_13 = arith.constant 256 : i32
    %add3A_14 = arith.addi %mul3A_12, %add3A_13 : i32
    "tpu.region"() ({
      %run_scoped3A = tpu.sem_alloc : memref<!tpu.dma_semaphore, #tpu.memory_space<semaphore_mem>>
      %dma_start3A = arith.constant 0 : i32
      %dma_start3A_61 = tpu.memref_slice %arg10[%add3A_14, %dma_start3A] : memref<10240x128xf32, #tpu.memory_space<vmem_shared>> -> memref<128x128xf32, #tpu.memory_space<vmem_shared>>
      %dma_start3A_62 = arith.constant 0 : i32
      %dma_start3A_63 = tpu.memref_slice %arg10[%add3A_14, %dma_start3A_62] : memref<10240x128xf32, #tpu.memory_space<vmem_shared>> -> memref<128x128xf32, #tpu.memory_space<vmem_shared>>
      tpu.enqueue_dma source(%arg8 : memref<128x128xf32, #tpu.memory_space<vmem>>) target(%dma_start3A_63 : memref<128x128xf32, #tpu.memory_space<vmem_shared>>) target_semaphore(%run_scoped3A : memref<!tpu.dma_semaphore, #tpu.memory_space<semaphore_mem>>)
      %dma_wait3A = arith.constant 0 : i32
      %dma_wait3A_64 = tpu.memref_slice %arg10[%add3A_14, %dma_wait3A] : memref<10240x128xf32, #tpu.memory_space<vmem_shared>> -> memref<128x128xf32, #tpu.memory_space<vmem_shared>>
      %dma_wait3A_65 = arith.constant 0 : i32
      %dma_wait3A_66 = tpu.memref_slice %arg10[%add3A_14, %dma_wait3A_65] : memref<10240x128xf32, #tpu.memory_space<vmem_shared>> -> memref<128x128xf32, #tpu.memory_space<vmem_shared>>
      tpu.wait_dma2 semaphore(%run_scoped3A : memref<!tpu.dma_semaphore, #tpu.memory_space<semaphore_mem>>) src(%arg8 : memref<128x128xf32, #tpu.memory_space<vmem>>) dst(%dma_wait3A_66 : memref<128x128xf32, #tpu.memory_space<vmem_shared>>)
      tpu.yield
    }) : () -> ()
    %mul3A_15 = arith.constant 640 : i32
    %mul3A_16 = arith.muli %arg1, %mul3A_15 : i32
    %add3A_17 = arith.constant 384 : i32
    %add3A_18 = arith.addi %mul3A_16, %add3A_17 : i32
    "tpu.region"() ({
      %run_scoped3A = tpu.sem_alloc : memref<!tpu.dma_semaphore, #tpu.memory_space<semaphore_mem>>
      %dma_start3A = arith.constant 0 : i32
      %dma_start3A_61 = tpu.memref_slice %arg10[%add3A_18, %dma_start3A] : memref<10240x128xf32, #tpu.memory_space<vmem_shared>> -> memref<128x128xf32, #tpu.memory_space<vmem_shared>>
      %dma_start3A_62 = arith.constant 0 : i32
      %dma_start3A_63 = tpu.memref_slice %arg10[%add3A_18, %dma_start3A_62] : memref<10240x128xf32, #tpu.memory_space<vmem_shared>> -> memref<128x128xf32, #tpu.memory_space<vmem_shared>>
      tpu.enqueue_dma source(%arg8 : memref<128x128xf32, #tpu.memory_space<vmem>>) target(%dma_start3A_63 : memref<128x128xf32, #tpu.memory_space<vmem_shared>>) target_semaphore(%run_scoped3A : memref<!tpu.dma_semaphore, #tpu.memory_space<semaphore_mem>>)
      %dma_wait3A = arith.constant 0 : i32
      %dma_wait3A_64 = tpu.memref_slice %arg10[%add3A_18, %dma_wait3A] : memref<10240x128xf32, #tpu.memory_space<vmem_shared>> -> memref<128x128xf32, #tpu.memory_space<vmem_shared>>
      %dma_wait3A_65 = arith.constant 0 : i32
      %dma_wait3A_66 = tpu.memref_slice %arg10[%add3A_18, %dma_wait3A_65] : memref<10240x128xf32, #tpu.memory_space<vmem_shared>> -> memref<128x128xf32, #tpu.memory_space<vmem_shared>>
      tpu.wait_dma2 semaphore(%run_scoped3A : memref<!tpu.dma_semaphore, #tpu.memory_space<semaphore_mem>>) src(%arg8 : memref<128x128xf32, #tpu.memory_space<vmem>>) dst(%dma_wait3A_66 : memref<128x128xf32, #tpu.memory_space<vmem_shared>>)
      tpu.yield
    }) : () -> ()
    %mul3A_19 = arith.constant 640 : i32
    %mul3A_20 = arith.muli %arg1, %mul3A_19 : i32
    %add3A_21 = arith.constant 512 : i32
    %add3A_22 = arith.addi %mul3A_20, %add3A_21 : i32
    "tpu.region"() ({
      %run_scoped3A = tpu.sem_alloc : memref<!tpu.dma_semaphore, #tpu.memory_space<semaphore_mem>>
      %dma_start3A = arith.constant 0 : i32
      %dma_start3A_61 = tpu.memref_slice %arg10[%add3A_22, %dma_start3A] : memref<10240x128xf32, #tpu.memory_space<vmem_shared>> -> memref<128x128xf32, #tpu.memory_space<vmem_shared>>
      %dma_start3A_62 = arith.constant 0 : i32
      %dma_start3A_63 = tpu.memref_slice %arg10[%add3A_22, %dma_start3A_62] : memref<10240x128xf32, #tpu.memory_space<vmem_shared>> -> memref<128x128xf32, #tpu.memory_space<vmem_shared>>
      tpu.enqueue_dma source(%arg8 : memref<128x128xf32, #tpu.memory_space<vmem>>) target(%dma_start3A_63 : memref<128x128xf32, #tpu.memory_space<vmem_shared>>) target_semaphore(%run_scoped3A : memref<!tpu.dma_semaphore, #tpu.memory_space<semaphore_mem>>)
      %dma_wait3A = arith.constant 0 : i32
      %dma_wait3A_64 = tpu.memref_slice %arg10[%add3A_22, %dma_wait3A] : memref<10240x128xf32, #tpu.memory_space<vmem_shared>> -> memref<128x128xf32, #tpu.memory_space<vmem_shared>>
      %dma_wait3A_65 = arith.constant 0 : i32
      %dma_wait3A_66 = tpu.memref_slice %arg10[%add3A_22, %dma_wait3A_65] : memref<10240x128xf32, #tpu.memory_space<vmem_shared>> -> memref<128x128xf32, #tpu.memory_space<vmem_shared>>
      tpu.wait_dma2 semaphore(%run_scoped3A : memref<!tpu.dma_semaphore, #tpu.memory_space<semaphore_mem>>) src(%arg8 : memref<128x128xf32, #tpu.memory_space<vmem>>) dst(%dma_wait3A_66 : memref<128x128xf32, #tpu.memory_space<vmem_shared>>)
      tpu.yield
    }) : () -> ()
    %barrier3A = arith.constant 0 : index
    tpu.barrier barrier_id(%barrier3A)
    "tpu.region"() ({
      %run_scoped3A = tpu.sem_alloc : memref<!tpu.dma_semaphore, #tpu.memory_space<semaphore_mem>>
      %dma_start3A = arith.constant 0 : i32
      %dma_start3A_61 = arith.constant 0 : i32
      %dma_start3A_62 = tpu.memref_slice %arg4[%arg1, %dma_start3A, %dma_start3A_61] : memref<16x80x128xi32, #tpu.memory_space<hbm>> -> memref<1x80x128xi32, #tpu.memory_space<hbm>>
      %dma_start3A_63 = tpu.memref_squeeze %dma_start3A_62 : memref<1x80x128xi32, #tpu.memory_space<hbm>> -> memref<80x128xi32, #tpu.memory_space<hbm>>
      %dma_start3A_64 = arith.constant 0 : i32
      %dma_start3A_65 = arith.constant 0 : i32
      %dma_start3A_66 = tpu.memref_slice %dma_start3A_63[%dma_start3A_64, %dma_start3A_65] : memref<80x128xi32, #tpu.memory_space<hbm>> -> memref<40x128xi32, #tpu.memory_space<hbm>>
      %dma_start3A_67 = arith.constant 0 : i32
      %dma_start3A_68 = arith.constant 0 : i32
      %dma_start3A_69 = tpu.memref_slice %arg4[%arg1, %dma_start3A_67, %dma_start3A_68] : memref<16x80x128xi32, #tpu.memory_space<hbm>> -> memref<1x80x128xi32, #tpu.memory_space<hbm>>
      %dma_start3A_70 = tpu.memref_squeeze %dma_start3A_69 : memref<1x80x128xi32, #tpu.memory_space<hbm>> -> memref<80x128xi32, #tpu.memory_space<hbm>>
      %dma_start3A_71 = arith.constant 0 : i32
      %dma_start3A_72 = arith.constant 0 : i32
      %dma_start3A_73 = tpu.memref_slice %dma_start3A_70[%dma_start3A_71, %dma_start3A_72] : memref<80x128xi32, #tpu.memory_space<hbm>> -> memref<40x128xi32, #tpu.memory_space<hbm>>
      tpu.enqueue_dma source(%dma_start3A_73 : memref<40x128xi32, #tpu.memory_space<hbm>>) target(%arg7 : memref<40x128xi32, #tpu.memory_space<vmem>>) target_semaphore(%run_scoped3A : memref<!tpu.dma_semaphore, #tpu.memory_space<semaphore_mem>>)
      %dma_wait3A = arith.constant 0 : i32
      %dma_wait3A_74 = arith.constant 0 : i32
      %dma_wait3A_75 = tpu.memref_slice %arg4[%arg1, %dma_wait3A, %dma_wait3A_74] : memref<16x80x128xi32, #tpu.memory_space<hbm>> -> memref<1x80x128xi32, #tpu.memory_space<hbm>>
      %dma_wait3A_76 = tpu.memref_squeeze %dma_wait3A_75 : memref<1x80x128xi32, #tpu.memory_space<hbm>> -> memref<80x128xi32, #tpu.memory_space<hbm>>
      %dma_wait3A_77 = arith.constant 0 : i32
      %dma_wait3A_78 = arith.constant 0 : i32
      %dma_wait3A_79 = tpu.memref_slice %dma_wait3A_76[%dma_wait3A_77, %dma_wait3A_78] : memref<80x128xi32, #tpu.memory_space<hbm>> -> memref<40x128xi32, #tpu.memory_space<hbm>>
      %dma_wait3A_80 = arith.constant 0 : i32
      %dma_wait3A_81 = arith.constant 0 : i32
      %dma_wait3A_82 = tpu.memref_slice %arg4[%arg1, %dma_wait3A_80, %dma_wait3A_81] : memref<16x80x128xi32, #tpu.memory_space<hbm>> -> memref<1x80x128xi32, #tpu.memory_space<hbm>>
      %dma_wait3A_83 = tpu.memref_squeeze %dma_wait3A_82 : memref<1x80x128xi32, #tpu.memory_space<hbm>> -> memref<80x128xi32, #tpu.memory_space<hbm>>
      %dma_wait3A_84 = arith.constant 0 : i32
      %dma_wait3A_85 = arith.constant 0 : i32
      %dma_wait3A_86 = tpu.memref_slice %dma_wait3A_83[%dma_wait3A_84, %dma_wait3A_85] : memref<80x128xi32, #tpu.memory_space<hbm>> -> memref<40x128xi32, #tpu.memory_space<hbm>>
      tpu.wait_dma2 semaphore(%run_scoped3A : memref<!tpu.dma_semaphore, #tpu.memory_space<semaphore_mem>>) src(%dma_wait3A_86 : memref<40x128xi32, #tpu.memory_space<hbm>>) dst(%arg7 : memref<40x128xi32, #tpu.memory_space<vmem>>)
      tpu.yield
    }) : () -> ()
    %eq3A = arith.constant 0 : i32
    %eq3A_23 = arith.cmpi eq, %arg0, %eq3A : i32
    %convert_element_type3A = arith.extui %eq3A_23 : i1 to i32
    %cond3A = arith.constant 0 : i32
    %cond3A_24 = arith.cmpi ne, %convert_element_type3A, %cond3A : i32
    scf.if %cond3A_24 {
      "tpu.region"() ({
        %run_scoped3A = tpu.sem_alloc : memref<!tpu.dma_semaphore, #tpu.memory_space<semaphore_mem>>
        %dma_start3A_80 = arith.constant 0 : i32
        %dma_start3A_81 = arith.constant 0 : i32
        %dma_start3A_82 = tpu.memref_slice %arg3[%arg1, %dma_start3A_80, %dma_start3A_81] : memref<16x80x128xi32, #tpu.memory_space<hbm>> -> memref<1x80x128xi32, #tpu.memory_space<hbm>>
        %dma_start3A_83 = tpu.memref_squeeze %dma_start3A_82 : memref<1x80x128xi32, #tpu.memory_space<hbm>> -> memref<80x128xi32, #tpu.memory_space<hbm>>
        %dma_start3A_84 = arith.constant 0 : i32
        %dma_start3A_85 = arith.constant 0 : i32
        %dma_start3A_86 = tpu.memref_slice %dma_start3A_83[%dma_start3A_84, %dma_start3A_85] : memref<80x128xi32, #tpu.memory_space<hbm>> -> memref<40x128xi32, #tpu.memory_space<hbm>>
        %dma_start3A_87 = arith.constant 0 : i32
        %dma_start3A_88 = arith.constant 0 : i32
        %dma_start3A_89 = tpu.memref_slice %arg3[%arg1, %dma_start3A_87, %dma_start3A_88] : memref<16x80x128xi32, #tpu.memory_space<hbm>> -> memref<1x80x128xi32, #tpu.memory_space<hbm>>
        %dma_start3A_90 = tpu.memref_squeeze %dma_start3A_89 : memref<1x80x128xi32, #tpu.memory_space<hbm>> -> memref<80x128xi32, #tpu.memory_space<hbm>>
        %dma_start3A_91 = arith.constant 0 : i32
        %dma_start3A_92 = arith.constant 0 : i32
        %dma_start3A_93 = tpu.memref_slice %dma_start3A_90[%dma_start3A_91, %dma_start3A_92] : memref<80x128xi32, #tpu.memory_space<hbm>> -> memref<40x128xi32, #tpu.memory_space<hbm>>
        tpu.enqueue_dma source(%dma_start3A_93 : memref<40x128xi32, #tpu.memory_space<hbm>>) target(%arg6 : memref<40x128xi32, #tpu.memory_space<vmem>>) target_semaphore(%run_scoped3A : memref<!tpu.dma_semaphore, #tpu.memory_space<semaphore_mem>>)
        %dma_wait3A = arith.constant 0 : i32
        %dma_wait3A_94 = arith.constant 0 : i32
        %dma_wait3A_95 = tpu.memref_slice %arg3[%arg1, %dma_wait3A, %dma_wait3A_94] : memref<16x80x128xi32, #tpu.memory_space<hbm>> -> memref<1x80x128xi32, #tpu.memory_space<hbm>>
        %dma_wait3A_96 = tpu.memref_squeeze %dma_wait3A_95 : memref<1x80x128xi32, #tpu.memory_space<hbm>> -> memref<80x128xi32, #tpu.memory_space<hbm>>
        %dma_wait3A_97 = arith.constant 0 : i32
        %dma_wait3A_98 = arith.constant 0 : i32
        %dma_wait3A_99 = tpu.memref_slice %dma_wait3A_96[%dma_wait3A_97, %dma_wait3A_98] : memref<80x128xi32, #tpu.memory_space<hbm>> -> memref<40x128xi32, #tpu.memory_space<hbm>>
        %dma_wait3A_100 = arith.constant 0 : i32
        %dma_wait3A_101 = arith.constant 0 : i32
        %dma_wait3A_102 = tpu.memref_slice %arg3[%arg1, %dma_wait3A_100, %dma_wait3A_101] : memref<16x80x128xi32, #tpu.memory_space<hbm>> -> memref<1x80x128xi32, #tpu.memory_space<hbm>>
        %dma_wait3A_103 = tpu.memref_squeeze %dma_wait3A_102 : memref<1x80x128xi32, #tpu.memory_space<hbm>> -> memref<80x128xi32, #tpu.memory_space<hbm>>
        %dma_wait3A_104 = arith.constant 0 : i32
        %dma_wait3A_105 = arith.constant 0 : i32
        %dma_wait3A_106 = tpu.memref_slice %dma_wait3A_103[%dma_wait3A_104, %dma_wait3A_105] : memref<80x128xi32, #tpu.memory_space<hbm>> -> memref<40x128xi32, #tpu.memory_space<hbm>>
        tpu.wait_dma2 semaphore(%run_scoped3A : memref<!tpu.dma_semaphore, #tpu.memory_space<semaphore_mem>>) src(%dma_wait3A_106 : memref<40x128xi32, #tpu.memory_space<hbm>>) dst(%arg6 : memref<40x128xi32, #tpu.memory_space<vmem>>)
        tpu.yield
      }) : () -> ()
      %dma_start3A = arith.constant 0 : i32
      %dma_start3A_61 = arith.constant 0 : i32
      %dma_start3A_62 = tpu.memref_slice %arg6[%dma_start3A, %dma_start3A_61] : memref<40x128xi32, #tpu.memory_space<vmem>> -> memref<1x128xi32, #tpu.memory_space<vmem>>
      %dma_start3A_63 = tpu.memref_squeeze %dma_start3A_62 : memref<1x128xi32, #tpu.memory_space<vmem>> -> memref<128xi32, #tpu.memory_space<vmem>>
      %dma_start3A_64 = arith.constant 0 : i32
      %dma_start3A_65 = arith.constant 0 : i32
      %dma_start3A_66 = tpu.memref_slice %arg2[%dma_start3A_64, %dma_start3A_65] : memref<10000x128xf32, #tpu.memory_space<hbm>> -> memref<10000x128xf32, #tpu.memory_space<hbm>>
      tpu.enqueue_indirect_dma source(%dma_start3A_66 : memref<10000x128xf32, #tpu.memory_space<hbm>>) target(%arg8 : memref<128x128xf32, #tpu.memory_space<vmem>>) offsets(%dma_start3A_63 : memref<128xi32, #tpu.memory_space<vmem>>) semaphore(%arg11 : memref<!tpu.dma_semaphore, #tpu.memory_space<semaphore_mem>>)
      %dma_start3A_67 = arith.constant 1 : i32
      %dma_start3A_68 = arith.constant 0 : i32
      %dma_start3A_69 = tpu.memref_slice %arg6[%dma_start3A_67, %dma_start3A_68] : memref<40x128xi32, #tpu.memory_space<vmem>> -> memref<1x128xi32, #tpu.memory_space<vmem>>
      %dma_start3A_70 = tpu.memref_squeeze %dma_start3A_69 : memref<1x128xi32, #tpu.memory_space<vmem>> -> memref<128xi32, #tpu.memory_space<vmem>>
      %dma_start3A_71 = arith.constant 0 : i32
      %dma_start3A_72 = arith.constant 0 : i32
      %dma_start3A_73 = tpu.memref_slice %arg2[%dma_start3A_71, %dma_start3A_72] : memref<10000x128xf32, #tpu.memory_space<hbm>> -> memref<10000x128xf32, #tpu.memory_space<hbm>>
      tpu.enqueue_indirect_dma source(%dma_start3A_73 : memref<10000x128xf32, #tpu.memory_space<hbm>>) target(%arg9 : memref<128x128xf32, #tpu.memory_space<vmem>>) offsets(%dma_start3A_70 : memref<128xi32, #tpu.memory_space<vmem>>) semaphore(%arg12 : memref<!tpu.dma_semaphore, #tpu.memory_space<semaphore_mem>>)
      %scan3A_74 = arith.constant 0 : i32
      %scan3A_75 = arith.constant 0 : i32
      %scan3A_76 = arith.constant 20 : i32
      %scan3A_77 = arith.addi %scan3A_75, %scan3A_76 : i32
      %scan3A_78 = arith.constant 1 : i32
      scf.for %scan3A_80 = %scan3A_75 to %scan3A_77 step %scan3A_78  : i32 {
        %mul3A_81 = arith.constant 2 : i32
        %mul3A_82 = arith.muli %scan3A_80, %mul3A_81 : i32
        %add3A_83 = arith.constant 0 : i32
        %add3A_84 = arith.addi %mul3A_82, %add3A_83 : i32
        %dma_wait3A = arith.constant 0 : i32
        %dma_wait3A_85 = tpu.memref_slice %arg6[%add3A_84, %dma_wait3A] : memref<40x128xi32, #tpu.memory_space<vmem>> -> memref<1x128xi32, #tpu.memory_space<vmem>>
        %dma_wait3A_86 = tpu.memref_squeeze %dma_wait3A_85 : memref<1x128xi32, #tpu.memory_space<vmem>> -> memref<128xi32, #tpu.memory_space<vmem>>
        %dma_wait3A_87 = arith.constant 0 : i32
        %dma_wait3A_88 = arith.constant 0 : i32
        %dma_wait3A_89 = tpu.memref_slice %arg2[%dma_wait3A_87, %dma_wait3A_88] : memref<10000x128xf32, #tpu.memory_space<hbm>> -> memref<10000x128xf32, #tpu.memory_space<hbm>>
        tpu.wait_indirect_dma semaphore(%arg11 : memref<!tpu.dma_semaphore, #tpu.memory_space<semaphore_mem>>) src(%dma_wait3A_89 : memref<10000x128xf32, #tpu.memory_space<hbm>>) dst(%arg8 : memref<128x128xf32, #tpu.memory_space<vmem>>)
        %add3A_90 = arith.constant 0 : i32
        %add3A_91 = arith.addi %mul3A_82, %add3A_90 : i32
        "tpu.region"() ({
          %run_scoped3A = tpu.sem_alloc : memref<!tpu.dma_semaphore, #tpu.memory_space<semaphore_mem>>
          %dma_start3A_111 = arith.constant 0 : i32
          %dma_start3A_112 = tpu.memref_slice %arg7[%add3A_91, %dma_start3A_111] : memref<40x128xi32, #tpu.memory_space<vmem>> -> memref<1x128xi32, #tpu.memory_space<vmem>>
          %dma_start3A_113 = tpu.memref_squeeze %dma_start3A_112 : memref<1x128xi32, #tpu.memory_space<vmem>> -> memref<128xi32, #tpu.memory_space<vmem>>
          %dma_start3A_114 = arith.constant 0 : i32
          %dma_start3A_115 = arith.constant 0 : i32
          %dma_start3A_116 = tpu.memref_slice %arg10[%dma_start3A_114, %dma_start3A_115] : memref<10240x128xf32, #tpu.memory_space<vmem_shared>> -> memref<10240x128xf32, #tpu.memory_space<vmem_shared>>
          tpu.enqueue_indirect_dma source(%arg8 : memref<128x128xf32, #tpu.memory_space<vmem>>) target(%dma_start3A_116 : memref<10240x128xf32, #tpu.memory_space<vmem_shared>>) offsets(%dma_start3A_113 : memref<128xi32, #tpu.memory_space<vmem>>) semaphore(%run_scoped3A : memref<!tpu.dma_semaphore, #tpu.memory_space<semaphore_mem>>) {add = true}
          %dma_wait3A_117 = arith.constant 0 : i32
          %dma_wait3A_118 = tpu.memref_slice %arg7[%add3A_91, %dma_wait3A_117] : memref<40x128xi32, #tpu.memory_space<vmem>> -> memref<1x128xi32, #tpu.memory_space<vmem>>
          %dma_wait3A_119 = tpu.memref_squeeze %dma_wait3A_118 : memref<1x128xi32, #tpu.memory_space<vmem>> -> memref<128xi32, #tpu.memory_space<vmem>>
          %dma_wait3A_120 = arith.constant 0 : i32
          %dma_wait3A_121 = arith.constant 0 : i32
          %dma_wait3A_122 = tpu.memref_slice %arg10[%dma_wait3A_120, %dma_wait3A_121] : memref<10240x128xf32, #tpu.memory_space<vmem_shared>> -> memref<10240x128xf32, #tpu.memory_space<vmem_shared>>
          tpu.wait_indirect_dma semaphore(%run_scoped3A : memref<!tpu.dma_semaphore, #tpu.memory_space<semaphore_mem>>) src(%arg8 : memref<128x128xf32, #tpu.memory_space<vmem>>) dst(%dma_wait3A_122 : memref<10240x128xf32, #tpu.memory_space<vmem_shared>>)
          tpu.yield
        }) : () -> ()
        %lt3A = arith.constant 19 : i32
        %lt3A_92 = arith.cmpi slt, %scan3A_80, %lt3A : i32
        %convert_element_type3A_93 = arith.extui %lt3A_92 : i1 to i32
        %cond3A_94 = arith.constant 0 : i32
        %cond3A_95 = arith.cmpi ne, %convert_element_type3A_93, %cond3A_94 : i32
        scf.if %cond3A_95 {
          %add3A_111 = arith.constant 0 : i32
          %add3A_112 = arith.addi %mul3A_82, %add3A_111 : i32
          %add3A_113 = arith.constant 2 : i32
          %add3A_114 = arith.addi %add3A_112, %add3A_113 : i32
          %dma_start3A_115 = arith.constant 0 : i32
          %dma_start3A_116 = tpu.memref_slice %arg6[%add3A_114, %dma_start3A_115] : memref<40x128xi32, #tpu.memory_space<vmem>> -> memref<1x128xi32, #tpu.memory_space<vmem>>
          %dma_start3A_117 = tpu.memref_squeeze %dma_start3A_116 : memref<1x128xi32, #tpu.memory_space<vmem>> -> memref<128xi32, #tpu.memory_space<vmem>>
          %dma_start3A_118 = arith.constant 0 : i32
          %dma_start3A_119 = arith.constant 0 : i32
          %dma_start3A_120 = tpu.memref_slice %arg2[%dma_start3A_118, %dma_start3A_119] : memref<10000x128xf32, #tpu.memory_space<hbm>> -> memref<10000x128xf32, #tpu.memory_space<hbm>>
          tpu.enqueue_indirect_dma source(%dma_start3A_120 : memref<10000x128xf32, #tpu.memory_space<hbm>>) target(%arg8 : memref<128x128xf32, #tpu.memory_space<vmem>>) offsets(%dma_start3A_117 : memref<128xi32, #tpu.memory_space<vmem>>) semaphore(%arg11 : memref<!tpu.dma_semaphore, #tpu.memory_space<semaphore_mem>>)
        } else {
        }
        %add3A_96 = arith.constant 1 : i32
        %add3A_97 = arith.addi %mul3A_82, %add3A_96 : i32
        %dma_wait3A_98 = arith.constant 0 : i32
        %dma_wait3A_99 = tpu.memref_slice %arg6[%add3A_97, %dma_wait3A_98] : memref<40x128xi32, #tpu.memory_space<vmem>> -> memref<1x128xi32, #tpu.memory_space<vmem>>
        %dma_wait3A_100 = tpu.memref_squeeze %dma_wait3A_99 : memref<1x128xi32, #tpu.memory_space<vmem>> -> memref<128xi32, #tpu.memory_space<vmem>>
        %dma_wait3A_101 = arith.constant 0 : i32
        %dma_wait3A_102 = arith.constant 0 : i32
        %dma_wait3A_103 = tpu.memref_slice %arg2[%dma_wait3A_101, %dma_wait3A_102] : memref<10000x128xf32, #tpu.memory_space<hbm>> -> memref<10000x128xf32, #tpu.memory_space<hbm>>
        tpu.wait_indirect_dma semaphore(%arg12 : memref<!tpu.dma_semaphore, #tpu.memory_space<semaphore_mem>>) src(%dma_wait3A_103 : memref<10000x128xf32, #tpu.memory_space<hbm>>) dst(%arg9 : memref<128x128xf32, #tpu.memory_space<vmem>>)
        %add3A_104 = arith.constant 1 : i32
        %add3A_105 = arith.addi %mul3A_82, %add3A_104 : i32
        "tpu.region"() ({
          %run_scoped3A = tpu.sem_alloc : memref<!tpu.dma_semaphore, #tpu.memory_space<semaphore_mem>>
          %dma_start3A_111 = arith.constant 0 : i32
          %dma_start3A_112 = tpu.memref_slice %arg7[%add3A_105, %dma_start3A_111] : memref<40x128xi32, #tpu.memory_space<vmem>> -> memref<1x128xi32, #tpu.memory_space<vmem>>
          %dma_start3A_113 = tpu.memref_squeeze %dma_start3A_112 : memref<1x128xi32, #tpu.memory_space<vmem>> -> memref<128xi32, #tpu.memory_space<vmem>>
          %dma_start3A_114 = arith.constant 0 : i32
          %dma_start3A_115 = arith.constant 0 : i32
          %dma_start3A_116 = tpu.memref_slice %arg10[%dma_start3A_114, %dma_start3A_115] : memref<10240x128xf32, #tpu.memory_space<vmem_shared>> -> memref<10240x128xf32, #tpu.memory_space<vmem_shared>>
          tpu.enqueue_indirect_dma source(%arg9 : memref<128x128xf32, #tpu.memory_space<vmem>>) target(%dma_start3A_116 : memref<10240x128xf32, #tpu.memory_space<vmem_shared>>) offsets(%dma_start3A_113 : memref<128xi32, #tpu.memory_space<vmem>>) semaphore(%run_scoped3A : memref<!tpu.dma_semaphore, #tpu.memory_space<semaphore_mem>>) {add = true}
          %dma_wait3A_117 = arith.constant 0 : i32
          %dma_wait3A_118 = tpu.memref_slice %arg7[%add3A_105, %dma_wait3A_117] : memref<40x128xi32, #tpu.memory_space<vmem>> -> memref<1x128xi32, #tpu.memory_space<vmem>>
          %dma_wait3A_119 = tpu.memref_squeeze %dma_wait3A_118 : memref<1x128xi32, #tpu.memory_space<vmem>> -> memref<128xi32, #tpu.memory_space<vmem>>
          %dma_wait3A_120 = arith.constant 0 : i32
          %dma_wait3A_121 = arith.constant 0 : i32
          %dma_wait3A_122 = tpu.memref_slice %arg10[%dma_wait3A_120, %dma_wait3A_121] : memref<10240x128xf32, #tpu.memory_space<vmem_shared>> -> memref<10240x128xf32, #tpu.memory_space<vmem_shared>>
          tpu.wait_indirect_dma semaphore(%run_scoped3A : memref<!tpu.dma_semaphore, #tpu.memory_space<semaphore_mem>>) src(%arg9 : memref<128x128xf32, #tpu.memory_space<vmem>>) dst(%dma_wait3A_122 : memref<10240x128xf32, #tpu.memory_space<vmem_shared>>)
          tpu.yield
        }) : () -> ()
        %lt3A_106 = arith.constant 19 : i32
        %lt3A_107 = arith.cmpi slt, %scan3A_80, %lt3A_106 : i32
        %convert_element_type3A_108 = arith.extui %lt3A_107 : i1 to i32
        %cond3A_109 = arith.constant 0 : i32
        %cond3A_110 = arith.cmpi ne, %convert_element_type3A_108, %cond3A_109 : i32
        scf.if %cond3A_110 {
          %add3A_111 = arith.constant 1 : i32
          %add3A_112 = arith.addi %mul3A_82, %add3A_111 : i32
          %add3A_113 = arith.constant 2 : i32
          %add3A_114 = arith.addi %add3A_112, %add3A_113 : i32
          %dma_start3A_115 = arith.constant 0 : i32
          %dma_start3A_116 = tpu.memref_slice %arg6[%add3A_114, %dma_start3A_115] : memref<40x128xi32, #tpu.memory_space<vmem>> -> memref<1x128xi32, #tpu.memory_space<vmem>>
          %dma_start3A_117 = tpu.memref_squeeze %dma_start3A_116 : memref<1x128xi32, #tpu.memory_space<vmem>> -> memref<128xi32, #tpu.memory_space<vmem>>
          %dma_start3A_118 = arith.constant 0 : i32
          %dma_start3A_119 = arith.constant 0 : i32
          %dma_start3A_120 = tpu.memref_slice %arg2[%dma_start3A_118, %dma_start3A_119] : memref<10000x128xf32, #tpu.memory_space<hbm>> -> memref<10000x128xf32, #tpu.memory_space<hbm>>
          tpu.enqueue_indirect_dma source(%dma_start3A_120 : memref<10000x128xf32, #tpu.memory_space<hbm>>) target(%arg9 : memref<128x128xf32, #tpu.memory_space<vmem>>) offsets(%dma_start3A_117 : memref<128xi32, #tpu.memory_space<vmem>>) semaphore(%arg12 : memref<!tpu.dma_semaphore, #tpu.memory_space<semaphore_mem>>)
        } else {
        }
      }
      %scan3A_79 = arith.constant 20 : i32
    } else {
    }
    %eq3A_25 = arith.constant 1 : i32
    %eq3A_26 = arith.cmpi eq, %arg0, %eq3A_25 : i32
    %convert_element_type3A_27 = arith.extui %eq3A_26 : i1 to i32
    %cond3A_28 = arith.constant 0 : i32
    %cond3A_29 = arith.cmpi ne, %convert_element_type3A_27, %cond3A_28 : i32
    scf.if %cond3A_29 {
      %scan3A_61 = arith.constant 0 : i32
      %scan3A_62 = arith.constant 0 : i32
      %scan3A_63 = arith.constant 40 : i32
      %scan3A_64 = arith.addi %scan3A_62, %scan3A_63 : i32
      %scan3A_65 = arith.constant 1 : i32
      scf.for %scan3A_67 = %scan3A_62 to %scan3A_64 step %scan3A_65  : i32 {
        "tpu.region"() ({
          %run_scoped3A = tpu.sem_alloc : memref<!tpu.dma_semaphore, #tpu.memory_space<semaphore_mem>>
          %dma_start3A = arith.constant 0 : i32
          %dma_start3A_68 = tpu.memref_slice %arg7[%scan3A_67, %dma_start3A] : memref<40x128xi32, #tpu.memory_space<vmem>> -> memref<1x128xi32, #tpu.memory_space<vmem>>
          %dma_start3A_69 = tpu.memref_squeeze %dma_start3A_68 : memref<1x128xi32, #tpu.memory_space<vmem>> -> memref<128xi32, #tpu.memory_space<vmem>>
          %dma_start3A_70 = arith.constant 0 : i32
          %dma_start3A_71 = arith.constant 0 : i32
          %dma_start3A_72 = tpu.memref_slice %arg10[%dma_start3A_70, %dma_start3A_71] : memref<10240x128xf32, #tpu.memory_space<vmem_shared>> -> memref<10240x128xf32, #tpu.memory_space<vmem_shared>>
          tpu.enqueue_indirect_dma source(%arg9 : memref<128x128xf32, #tpu.memory_space<vmem>>) target(%dma_start3A_72 : memref<10240x128xf32, #tpu.memory_space<vmem_shared>>) offsets(%dma_start3A_69 : memref<128xi32, #tpu.memory_space<vmem>>) semaphore(%run_scoped3A : memref<!tpu.dma_semaphore, #tpu.memory_space<semaphore_mem>>) {add = true}
          %dma_wait3A = arith.constant 0 : i32
          %dma_wait3A_73 = tpu.memref_slice %arg7[%scan3A_67, %dma_wait3A] : memref<40x128xi32, #tpu.memory_space<vmem>> -> memref<1x128xi32, #tpu.memory_space<vmem>>
          %dma_wait3A_74 = tpu.memref_squeeze %dma_wait3A_73 : memref<1x128xi32, #tpu.memory_space<vmem>> -> memref<128xi32, #tpu.memory_space<vmem>>
          %dma_wait3A_75 = arith.constant 0 : i32
          %dma_wait3A_76 = arith.constant 0 : i32
          %dma_wait3A_77 = tpu.memref_slice %arg10[%dma_wait3A_75, %dma_wait3A_76] : memref<10240x128xf32, #tpu.memory_space<vmem_shared>> -> memref<10240x128xf32, #tpu.memory_space<vmem_shared>>
          tpu.wait_indirect_dma semaphore(%run_scoped3A : memref<!tpu.dma_semaphore, #tpu.memory_space<semaphore_mem>>) src(%arg9 : memref<128x128xf32, #tpu.memory_space<vmem>>) dst(%dma_wait3A_77 : memref<10240x128xf32, #tpu.memory_space<vmem_shared>>)
          tpu.yield
        }) : () -> ()
      }
      %scan3A_66 = arith.constant 40 : i32
    } else {
    }
    "tpu.region"() ({
      %run_scoped3A = tpu.sem_alloc : memref<!tpu.dma_semaphore, #tpu.memory_space<semaphore_mem>>
      %dma_start3A = arith.constant 0 : i32
      %dma_start3A_61 = arith.constant 0 : i32
      %dma_start3A_62 = tpu.memref_slice %arg4[%arg1, %dma_start3A, %dma_start3A_61] : memref<16x80x128xi32, #tpu.memory_space<hbm>> -> memref<1x80x128xi32, #tpu.memory_space<hbm>>
      %dma_start3A_63 = tpu.memref_squeeze %dma_start3A_62 : memref<1x80x128xi32, #tpu.memory_space<hbm>> -> memref<80x128xi32, #tpu.memory_space<hbm>>
      %dma_start3A_64 = arith.constant 40 : i32
      %dma_start3A_65 = arith.constant 0 : i32
      %dma_start3A_66 = tpu.memref_slice %dma_start3A_63[%dma_start3A_64, %dma_start3A_65] : memref<80x128xi32, #tpu.memory_space<hbm>> -> memref<40x128xi32, #tpu.memory_space<hbm>>
      %dma_start3A_67 = arith.constant 0 : i32
      %dma_start3A_68 = arith.constant 0 : i32
      %dma_start3A_69 = tpu.memref_slice %arg4[%arg1, %dma_start3A_67, %dma_start3A_68] : memref<16x80x128xi32, #tpu.memory_space<hbm>> -> memref<1x80x128xi32, #tpu.memory_space<hbm>>
      %dma_start3A_70 = tpu.memref_squeeze %dma_start3A_69 : memref<1x80x128xi32, #tpu.memory_space<hbm>> -> memref<80x128xi32, #tpu.memory_space<hbm>>
      %dma_start3A_71 = arith.constant 40 : i32
      %dma_start3A_72 = arith.constant 0 : i32
      %dma_start3A_73 = tpu.memref_slice %dma_start3A_70[%dma_start3A_71, %dma_start3A_72] : memref<80x128xi32, #tpu.memory_space<hbm>> -> memref<40x128xi32, #tpu.memory_space<hbm>>
      tpu.enqueue_dma source(%dma_start3A_73 : memref<40x128xi32, #tpu.memory_space<hbm>>) target(%arg7 : memref<40x128xi32, #tpu.memory_space<vmem>>) target_semaphore(%run_scoped3A : memref<!tpu.dma_semaphore, #tpu.memory_space<semaphore_mem>>)
      %dma_wait3A = arith.constant 0 : i32
      %dma_wait3A_74 = arith.constant 0 : i32
      %dma_wait3A_75 = tpu.memref_slice %arg4[%arg1, %dma_wait3A, %dma_wait3A_74] : memref<16x80x128xi32, #tpu.memory_space<hbm>> -> memref<1x80x128xi32, #tpu.memory_space<hbm>>
      %dma_wait3A_76 = tpu.memref_squeeze %dma_wait3A_75 : memref<1x80x128xi32, #tpu.memory_space<hbm>> -> memref<80x128xi32, #tpu.memory_space<hbm>>
      %dma_wait3A_77 = arith.constant 40 : i32
      %dma_wait3A_78 = arith.constant 0 : i32
      %dma_wait3A_79 = tpu.memref_slice %dma_wait3A_76[%dma_wait3A_77, %dma_wait3A_78] : memref<80x128xi32, #tpu.memory_space<hbm>> -> memref<40x128xi32, #tpu.memory_space<hbm>>
      %dma_wait3A_80 = arith.constant 0 : i32
      %dma_wait3A_81 = arith.constant 0 : i32
      %dma_wait3A_82 = tpu.memref_slice %arg4[%arg1, %dma_wait3A_80, %dma_wait3A_81] : memref<16x80x128xi32, #tpu.memory_space<hbm>> -> memref<1x80x128xi32, #tpu.memory_space<hbm>>
      %dma_wait3A_83 = tpu.memref_squeeze %dma_wait3A_82 : memref<1x80x128xi32, #tpu.memory_space<hbm>> -> memref<80x128xi32, #tpu.memory_space<hbm>>
      %dma_wait3A_84 = arith.constant 40 : i32
      %dma_wait3A_85 = arith.constant 0 : i32
      %dma_wait3A_86 = tpu.memref_slice %dma_wait3A_83[%dma_wait3A_84, %dma_wait3A_85] : memref<80x128xi32, #tpu.memory_space<hbm>> -> memref<40x128xi32, #tpu.memory_space<hbm>>
      tpu.wait_dma2 semaphore(%run_scoped3A : memref<!tpu.dma_semaphore, #tpu.memory_space<semaphore_mem>>) src(%dma_wait3A_86 : memref<40x128xi32, #tpu.memory_space<hbm>>) dst(%arg7 : memref<40x128xi32, #tpu.memory_space<vmem>>)
      tpu.yield
    }) : () -> ()
    %eq3A_30 = arith.constant 0 : i32
    %eq3A_31 = arith.cmpi eq, %arg0, %eq3A_30 : i32
    %convert_element_type3A_32 = arith.extui %eq3A_31 : i1 to i32
    %cond3A_33 = arith.constant 0 : i32
    %cond3A_34 = arith.cmpi ne, %convert_element_type3A_32, %cond3A_33 : i32
    scf.if %cond3A_34 {
      "tpu.region"() ({
        %run_scoped3A = tpu.sem_alloc : memref<!tpu.dma_semaphore, #tpu.memory_space<semaphore_mem>>
        %dma_start3A_80 = arith.constant 0 : i32
        %dma_start3A_81 = arith.constant 0 : i32
        %dma_start3A_82 = tpu.memref_slice %arg3[%arg1, %dma_start3A_80, %dma_start3A_81] : memref<16x80x128xi32, #tpu.memory_space<hbm>> -> memref<1x80x128xi32, #tpu.memory_space<hbm>>
        %dma_start3A_83 = tpu.memref_squeeze %dma_start3A_82 : memref<1x80x128xi32, #tpu.memory_space<hbm>> -> memref<80x128xi32, #tpu.memory_space<hbm>>
        %dma_start3A_84 = arith.constant 40 : i32
        %dma_start3A_85 = arith.constant 0 : i32
        %dma_start3A_86 = tpu.memref_slice %dma_start3A_83[%dma_start3A_84, %dma_start3A_85] : memref<80x128xi32, #tpu.memory_space<hbm>> -> memref<40x128xi32, #tpu.memory_space<hbm>>
        %dma_start3A_87 = arith.constant 0 : i32
        %dma_start3A_88 = arith.constant 0 : i32
        %dma_start3A_89 = tpu.memref_slice %arg3[%arg1, %dma_start3A_87, %dma_start3A_88] : memref<16x80x128xi32, #tpu.memory_space<hbm>> -> memref<1x80x128xi32, #tpu.memory_space<hbm>>
        %dma_start3A_90 = tpu.memref_squeeze %dma_start3A_89 : memref<1x80x128xi32, #tpu.memory_space<hbm>> -> memref<80x128xi32, #tpu.memory_space<hbm>>
        %dma_start3A_91 = arith.constant 40 : i32
        %dma_start3A_92 = arith.constant 0 : i32
        %dma_start3A_93 = tpu.memref_slice %dma_start3A_90[%dma_start3A_91, %dma_start3A_92] : memref<80x128xi32, #tpu.memory_space<hbm>> -> memref<40x128xi32, #tpu.memory_space<hbm>>
        tpu.enqueue_dma source(%dma_start3A_93 : memref<40x128xi32, #tpu.memory_space<hbm>>) target(%arg6 : memref<40x128xi32, #tpu.memory_space<vmem>>) target_semaphore(%run_scoped3A : memref<!tpu.dma_semaphore, #tpu.memory_space<semaphore_mem>>)
        %dma_wait3A = arith.constant 0 : i32
        %dma_wait3A_94 = arith.constant 0 : i32
        %dma_wait3A_95 = tpu.memref_slice %arg3[%arg1, %dma_wait3A, %dma_wait3A_94] : memref<16x80x128xi32, #tpu.memory_space<hbm>> -> memref<1x80x128xi32, #tpu.memory_space<hbm>>
        %dma_wait3A_96 = tpu.memref_squeeze %dma_wait3A_95 : memref<1x80x128xi32, #tpu.memory_space<hbm>> -> memref<80x128xi32, #tpu.memory_space<hbm>>
        %dma_wait3A_97 = arith.constant 40 : i32
        %dma_wait3A_98 = arith.constant 0 : i32
        %dma_wait3A_99 = tpu.memref_slice %dma_wait3A_96[%dma_wait3A_97, %dma_wait3A_98] : memref<80x128xi32, #tpu.memory_space<hbm>> -> memref<40x128xi32, #tpu.memory_space<hbm>>
        %dma_wait3A_100 = arith.constant 0 : i32
        %dma_wait3A_101 = arith.constant 0 : i32
        %dma_wait3A_102 = tpu.memref_slice %arg3[%arg1, %dma_wait3A_100, %dma_wait3A_101] : memref<16x80x128xi32, #tpu.memory_space<hbm>> -> memref<1x80x128xi32, #tpu.memory_space<hbm>>
        %dma_wait3A_103 = tpu.memref_squeeze %dma_wait3A_102 : memref<1x80x128xi32, #tpu.memory_space<hbm>> -> memref<80x128xi32, #tpu.memory_space<hbm>>
        %dma_wait3A_104 = arith.constant 40 : i32
        %dma_wait3A_105 = arith.constant 0 : i32
        %dma_wait3A_106 = tpu.memref_slice %dma_wait3A_103[%dma_wait3A_104, %dma_wait3A_105] : memref<80x128xi32, #tpu.memory_space<hbm>> -> memref<40x128xi32, #tpu.memory_space<hbm>>
        tpu.wait_dma2 semaphore(%run_scoped3A : memref<!tpu.dma_semaphore, #tpu.memory_space<semaphore_mem>>) src(%dma_wait3A_106 : memref<40x128xi32, #tpu.memory_space<hbm>>) dst(%arg6 : memref<40x128xi32, #tpu.memory_space<vmem>>)
        tpu.yield
      }) : () -> ()
      %dma_start3A = arith.constant 0 : i32
      %dma_start3A_61 = arith.constant 0 : i32
      %dma_start3A_62 = tpu.memref_slice %arg6[%dma_start3A, %dma_start3A_61] : memref<40x128xi32, #tpu.memory_space<vmem>> -> memref<1x128xi32, #tpu.memory_space<vmem>>
      %dma_start3A_63 = tpu.memref_squeeze %dma_start3A_62 : memref<1x128xi32, #tpu.memory_space<vmem>> -> memref<128xi32, #tpu.memory_space<vmem>>
      %dma_start3A_64 = arith.constant 0 : i32
      %dma_start3A_65 = arith.constant 0 : i32
      %dma_start3A_66 = tpu.memref_slice %arg2[%dma_start3A_64, %dma_start3A_65] : memref<10000x128xf32, #tpu.memory_space<hbm>> -> memref<10000x128xf32, #tpu.memory_space<hbm>>
      tpu.enqueue_indirect_dma source(%dma_start3A_66 : memref<10000x128xf32, #tpu.memory_space<hbm>>) target(%arg8 : memref<128x128xf32, #tpu.memory_space<vmem>>) offsets(%dma_start3A_63 : memref<128xi32, #tpu.memory_space<vmem>>) semaphore(%arg11 : memref<!tpu.dma_semaphore, #tpu.memory_space<semaphore_mem>>)
      %dma_start3A_67 = arith.constant 1 : i32
      %dma_start3A_68 = arith.constant 0 : i32
      %dma_start3A_69 = tpu.memref_slice %arg6[%dma_start3A_67, %dma_start3A_68] : memref<40x128xi32, #tpu.memory_space<vmem>> -> memref<1x128xi32, #tpu.memory_space<vmem>>
      %dma_start3A_70 = tpu.memref_squeeze %dma_start3A_69 : memref<1x128xi32, #tpu.memory_space<vmem>> -> memref<128xi32, #tpu.memory_space<vmem>>
      %dma_start3A_71 = arith.constant 0 : i32
      %dma_start3A_72 = arith.constant 0 : i32
      %dma_start3A_73 = tpu.memref_slice %arg2[%dma_start3A_71, %dma_start3A_72] : memref<10000x128xf32, #tpu.memory_space<hbm>> -> memref<10000x128xf32, #tpu.memory_space<hbm>>
      tpu.enqueue_indirect_dma source(%dma_start3A_73 : memref<10000x128xf32, #tpu.memory_space<hbm>>) target(%arg9 : memref<128x128xf32, #tpu.memory_space<vmem>>) offsets(%dma_start3A_70 : memref<128xi32, #tpu.memory_space<vmem>>) semaphore(%arg12 : memref<!tpu.dma_semaphore, #tpu.memory_space<semaphore_mem>>)
      %scan3A_74 = arith.constant 0 : i32
      %scan3A_75 = arith.constant 0 : i32
      %scan3A_76 = arith.constant 20 : i32
      %scan3A_77 = arith.addi %scan3A_75, %scan3A_76 : i32
      %scan3A_78 = arith.constant 1 : i32
      scf.for %scan3A_80 = %scan3A_75 to %scan3A_77 step %scan3A_78  : i32 {
        %mul3A_81 = arith.constant 2 : i32
        %mul3A_82 = arith.muli %scan3A_80, %mul3A_81 : i32
        %add3A_83 = arith.constant 0 : i32
        %add3A_84 = arith.addi %mul3A_82, %add3A_83 : i32
        %dma_wait3A = arith.constant 0 : i32
        %dma_wait3A_85 = tpu.memref_slice %arg6[%add3A_84, %dma_wait3A] : memref<40x128xi32, #tpu.memory_space<vmem>> -> memref<1x128xi32, #tpu.memory_space<vmem>>
        %dma_wait3A_86 = tpu.memref_squeeze %dma_wait3A_85 : memref<1x128xi32, #tpu.memory_space<vmem>> -> memref<128xi32, #tpu.memory_space<vmem>>
        %dma_wait3A_87 = arith.constant 0 : i32
        %dma_wait3A_88 = arith.constant 0 : i32
        %dma_wait3A_89 = tpu.memref_slice %arg2[%dma_wait3A_87, %dma_wait3A_88] : memref<10000x128xf32, #tpu.memory_space<hbm>> -> memref<10000x128xf32, #tpu.memory_space<hbm>>
        tpu.wait_indirect_dma semaphore(%arg11 : memref<!tpu.dma_semaphore, #tpu.memory_space<semaphore_mem>>) src(%dma_wait3A_89 : memref<10000x128xf32, #tpu.memory_space<hbm>>) dst(%arg8 : memref<128x128xf32, #tpu.memory_space<vmem>>)
        %add3A_90 = arith.constant 0 : i32
        %add3A_91 = arith.addi %mul3A_82, %add3A_90 : i32
        "tpu.region"() ({
          %run_scoped3A = tpu.sem_alloc : memref<!tpu.dma_semaphore, #tpu.memory_space<semaphore_mem>>
          %dma_start3A_111 = arith.constant 0 : i32
          %dma_start3A_112 = tpu.memref_slice %arg7[%add3A_91, %dma_start3A_111] : memref<40x128xi32, #tpu.memory_space<vmem>> -> memref<1x128xi32, #tpu.memory_space<vmem>>
          %dma_start3A_113 = tpu.memref_squeeze %dma_start3A_112 : memref<1x128xi32, #tpu.memory_space<vmem>> -> memref<128xi32, #tpu.memory_space<vmem>>
          %dma_start3A_114 = arith.constant 0 : i32
          %dma_start3A_115 = arith.constant 0 : i32
          %dma_start3A_116 = tpu.memref_slice %arg10[%dma_start3A_114, %dma_start3A_115] : memref<10240x128xf32, #tpu.memory_space<vmem_shared>> -> memref<10240x128xf32, #tpu.memory_space<vmem_shared>>
          tpu.enqueue_indirect_dma source(%arg8 : memref<128x128xf32, #tpu.memory_space<vmem>>) target(%dma_start3A_116 : memref<10240x128xf32, #tpu.memory_space<vmem_shared>>) offsets(%dma_start3A_113 : memref<128xi32, #tpu.memory_space<vmem>>) semaphore(%run_scoped3A : memref<!tpu.dma_semaphore, #tpu.memory_space<semaphore_mem>>) {add = true}
          %dma_wait3A_117 = arith.constant 0 : i32
          %dma_wait3A_118 = tpu.memref_slice %arg7[%add3A_91, %dma_wait3A_117] : memref<40x128xi32, #tpu.memory_space<vmem>> -> memref<1x128xi32, #tpu.memory_space<vmem>>
          %dma_wait3A_119 = tpu.memref_squeeze %dma_wait3A_118 : memref<1x128xi32, #tpu.memory_space<vmem>> -> memref<128xi32, #tpu.memory_space<vmem>>
          %dma_wait3A_120 = arith.constant 0 : i32
          %dma_wait3A_121 = arith.constant 0 : i32
          %dma_wait3A_122 = tpu.memref_slice %arg10[%dma_wait3A_120, %dma_wait3A_121] : memref<10240x128xf32, #tpu.memory_space<vmem_shared>> -> memref<10240x128xf32, #tpu.memory_space<vmem_shared>>
          tpu.wait_indirect_dma semaphore(%run_scoped3A : memref<!tpu.dma_semaphore, #tpu.memory_space<semaphore_mem>>) src(%arg8 : memref<128x128xf32, #tpu.memory_space<vmem>>) dst(%dma_wait3A_122 : memref<10240x128xf32, #tpu.memory_space<vmem_shared>>)
          tpu.yield
        }) : () -> ()
        %lt3A = arith.constant 19 : i32
        %lt3A_92 = arith.cmpi slt, %scan3A_80, %lt3A : i32
        %convert_element_type3A_93 = arith.extui %lt3A_92 : i1 to i32
        %cond3A_94 = arith.constant 0 : i32
        %cond3A_95 = arith.cmpi ne, %convert_element_type3A_93, %cond3A_94 : i32
        scf.if %cond3A_95 {
          %add3A_111 = arith.constant 0 : i32
          %add3A_112 = arith.addi %mul3A_82, %add3A_111 : i32
          %add3A_113 = arith.constant 2 : i32
          %add3A_114 = arith.addi %add3A_112, %add3A_113 : i32
          %dma_start3A_115 = arith.constant 0 : i32
          %dma_start3A_116 = tpu.memref_slice %arg6[%add3A_114, %dma_start3A_115] : memref<40x128xi32, #tpu.memory_space<vmem>> -> memref<1x128xi32, #tpu.memory_space<vmem>>
          %dma_start3A_117 = tpu.memref_squeeze %dma_start3A_116 : memref<1x128xi32, #tpu.memory_space<vmem>> -> memref<128xi32, #tpu.memory_space<vmem>>
          %dma_start3A_118 = arith.constant 0 : i32
          %dma_start3A_119 = arith.constant 0 : i32
          %dma_start3A_120 = tpu.memref_slice %arg2[%dma_start3A_118, %dma_start3A_119] : memref<10000x128xf32, #tpu.memory_space<hbm>> -> memref<10000x128xf32, #tpu.memory_space<hbm>>
          tpu.enqueue_indirect_dma source(%dma_start3A_120 : memref<10000x128xf32, #tpu.memory_space<hbm>>) target(%arg8 : memref<128x128xf32, #tpu.memory_space<vmem>>) offsets(%dma_start3A_117 : memref<128xi32, #tpu.memory_space<vmem>>) semaphore(%arg11 : memref<!tpu.dma_semaphore, #tpu.memory_space<semaphore_mem>>)
        } else {
        }
        %add3A_96 = arith.constant 1 : i32
        %add3A_97 = arith.addi %mul3A_82, %add3A_96 : i32
        %dma_wait3A_98 = arith.constant 0 : i32
        %dma_wait3A_99 = tpu.memref_slice %arg6[%add3A_97, %dma_wait3A_98] : memref<40x128xi32, #tpu.memory_space<vmem>> -> memref<1x128xi32, #tpu.memory_space<vmem>>
        %dma_wait3A_100 = tpu.memref_squeeze %dma_wait3A_99 : memref<1x128xi32, #tpu.memory_space<vmem>> -> memref<128xi32, #tpu.memory_space<vmem>>
        %dma_wait3A_101 = arith.constant 0 : i32
        %dma_wait3A_102 = arith.constant 0 : i32
        %dma_wait3A_103 = tpu.memref_slice %arg2[%dma_wait3A_101, %dma_wait3A_102] : memref<10000x128xf32, #tpu.memory_space<hbm>> -> memref<10000x128xf32, #tpu.memory_space<hbm>>
        tpu.wait_indirect_dma semaphore(%arg12 : memref<!tpu.dma_semaphore, #tpu.memory_space<semaphore_mem>>) src(%dma_wait3A_103 : memref<10000x128xf32, #tpu.memory_space<hbm>>) dst(%arg9 : memref<128x128xf32, #tpu.memory_space<vmem>>)
        %add3A_104 = arith.constant 1 : i32
        %add3A_105 = arith.addi %mul3A_82, %add3A_104 : i32
        "tpu.region"() ({
          %run_scoped3A = tpu.sem_alloc : memref<!tpu.dma_semaphore, #tpu.memory_space<semaphore_mem>>
          %dma_start3A_111 = arith.constant 0 : i32
          %dma_start3A_112 = tpu.memref_slice %arg7[%add3A_105, %dma_start3A_111] : memref<40x128xi32, #tpu.memory_space<vmem>> -> memref<1x128xi32, #tpu.memory_space<vmem>>
          %dma_start3A_113 = tpu.memref_squeeze %dma_start3A_112 : memref<1x128xi32, #tpu.memory_space<vmem>> -> memref<128xi32, #tpu.memory_space<vmem>>
          %dma_start3A_114 = arith.constant 0 : i32
          %dma_start3A_115 = arith.constant 0 : i32
          %dma_start3A_116 = tpu.memref_slice %arg10[%dma_start3A_114, %dma_start3A_115] : memref<10240x128xf32, #tpu.memory_space<vmem_shared>> -> memref<10240x128xf32, #tpu.memory_space<vmem_shared>>
          tpu.enqueue_indirect_dma source(%arg9 : memref<128x128xf32, #tpu.memory_space<vmem>>) target(%dma_start3A_116 : memref<10240x128xf32, #tpu.memory_space<vmem_shared>>) offsets(%dma_start3A_113 : memref<128xi32, #tpu.memory_space<vmem>>) semaphore(%run_scoped3A : memref<!tpu.dma_semaphore, #tpu.memory_space<semaphore_mem>>) {add = true}
          %dma_wait3A_117 = arith.constant 0 : i32
          %dma_wait3A_118 = tpu.memref_slice %arg7[%add3A_105, %dma_wait3A_117] : memref<40x128xi32, #tpu.memory_space<vmem>> -> memref<1x128xi32, #tpu.memory_space<vmem>>
          %dma_wait3A_119 = tpu.memref_squeeze %dma_wait3A_118 : memref<1x128xi32, #tpu.memory_space<vmem>> -> memref<128xi32, #tpu.memory_space<vmem>>
          %dma_wait3A_120 = arith.constant 0 : i32
          %dma_wait3A_121 = arith.constant 0 : i32
          %dma_wait3A_122 = tpu.memref_slice %arg10[%dma_wait3A_120, %dma_wait3A_121] : memref<10240x128xf32, #tpu.memory_space<vmem_shared>> -> memref<10240x128xf32, #tpu.memory_space<vmem_shared>>
          tpu.wait_indirect_dma semaphore(%run_scoped3A : memref<!tpu.dma_semaphore, #tpu.memory_space<semaphore_mem>>) src(%arg9 : memref<128x128xf32, #tpu.memory_space<vmem>>) dst(%dma_wait3A_122 : memref<10240x128xf32, #tpu.memory_space<vmem_shared>>)
          tpu.yield
        }) : () -> ()
        %lt3A_106 = arith.constant 19 : i32
        %lt3A_107 = arith.cmpi slt, %scan3A_80, %lt3A_106 : i32
        %convert_element_type3A_108 = arith.extui %lt3A_107 : i1 to i32
        %cond3A_109 = arith.constant 0 : i32
        %cond3A_110 = arith.cmpi ne, %convert_element_type3A_108, %cond3A_109 : i32
        scf.if %cond3A_110 {
          %add3A_111 = arith.constant 1 : i32
          %add3A_112 = arith.addi %mul3A_82, %add3A_111 : i32
          %add3A_113 = arith.constant 2 : i32
          %add3A_114 = arith.addi %add3A_112, %add3A_113 : i32
          %dma_start3A_115 = arith.constant 0 : i32
          %dma_start3A_116 = tpu.memref_slice %arg6[%add3A_114, %dma_start3A_115] : memref<40x128xi32, #tpu.memory_space<vmem>> -> memref<1x128xi32, #tpu.memory_space<vmem>>
          %dma_start3A_117 = tpu.memref_squeeze %dma_start3A_116 : memref<1x128xi32, #tpu.memory_space<vmem>> -> memref<128xi32, #tpu.memory_space<vmem>>
          %dma_start3A_118 = arith.constant 0 : i32
          %dma_start3A_119 = arith.constant 0 : i32
          %dma_start3A_120 = tpu.memref_slice %arg2[%dma_start3A_118, %dma_start3A_119] : memref<10000x128xf32, #tpu.memory_space<hbm>> -> memref<10000x128xf32, #tpu.memory_space<hbm>>
          tpu.enqueue_indirect_dma source(%dma_start3A_120 : memref<10000x128xf32, #tpu.memory_space<hbm>>) target(%arg9 : memref<128x128xf32, #tpu.memory_space<vmem>>) offsets(%dma_start3A_117 : memref<128xi32, #tpu.memory_space<vmem>>) semaphore(%arg12 : memref<!tpu.dma_semaphore, #tpu.memory_space<semaphore_mem>>)
        } else {
        }
      }
      %scan3A_79 = arith.constant 20 : i32
    } else {
    }
    %eq3A_35 = arith.constant 1 : i32
    %eq3A_36 = arith.cmpi eq, %arg0, %eq3A_35 : i32
    %convert_element_type3A_37 = arith.extui %eq3A_36 : i1 to i32
    %cond3A_38 = arith.constant 0 : i32
    %cond3A_39 = arith.cmpi ne, %convert_element_type3A_37, %cond3A_38 : i32
    scf.if %cond3A_39 {
      %scan3A_61 = arith.constant 0 : i32
      %scan3A_62 = arith.constant 0 : i32
      %scan3A_63 = arith.constant 40 : i32
      %scan3A_64 = arith.addi %scan3A_62, %scan3A_63 : i32
      %scan3A_65 = arith.constant 1 : i32
      scf.for %scan3A_67 = %scan3A_62 to %scan3A_64 step %scan3A_65  : i32 {
        "tpu.region"() ({
          %run_scoped3A = tpu.sem_alloc : memref<!tpu.dma_semaphore, #tpu.memory_space<semaphore_mem>>
          %dma_start3A = arith.constant 0 : i32
          %dma_start3A_68 = tpu.memref_slice %arg7[%scan3A_67, %dma_start3A] : memref<40x128xi32, #tpu.memory_space<vmem>> -> memref<1x128xi32, #tpu.memory_space<vmem>>
          %dma_start3A_69 = tpu.memref_squeeze %dma_start3A_68 : memref<1x128xi32, #tpu.memory_space<vmem>> -> memref<128xi32, #tpu.memory_space<vmem>>
          %dma_start3A_70 = arith.constant 0 : i32
          %dma_start3A_71 = arith.constant 0 : i32
          %dma_start3A_72 = tpu.memref_slice %arg10[%dma_start3A_70, %dma_start3A_71] : memref<10240x128xf32, #tpu.memory_space<vmem_shared>> -> memref<10240x128xf32, #tpu.memory_space<vmem_shared>>
          tpu.enqueue_indirect_dma source(%arg9 : memref<128x128xf32, #tpu.memory_space<vmem>>) target(%dma_start3A_72 : memref<10240x128xf32, #tpu.memory_space<vmem_shared>>) offsets(%dma_start3A_69 : memref<128xi32, #tpu.memory_space<vmem>>) semaphore(%run_scoped3A : memref<!tpu.dma_semaphore, #tpu.memory_space<semaphore_mem>>) {add = true}
          %dma_wait3A = arith.constant 0 : i32
          %dma_wait3A_73 = tpu.memref_slice %arg7[%scan3A_67, %dma_wait3A] : memref<40x128xi32, #tpu.memory_space<vmem>> -> memref<1x128xi32, #tpu.memory_space<vmem>>
          %dma_wait3A_74 = tpu.memref_squeeze %dma_wait3A_73 : memref<1x128xi32, #tpu.memory_space<vmem>> -> memref<128xi32, #tpu.memory_space<vmem>>
          %dma_wait3A_75 = arith.constant 0 : i32
          %dma_wait3A_76 = arith.constant 0 : i32
          %dma_wait3A_77 = tpu.memref_slice %arg10[%dma_wait3A_75, %dma_wait3A_76] : memref<10240x128xf32, #tpu.memory_space<vmem_shared>> -> memref<10240x128xf32, #tpu.memory_space<vmem_shared>>
          tpu.wait_indirect_dma semaphore(%run_scoped3A : memref<!tpu.dma_semaphore, #tpu.memory_space<semaphore_mem>>) src(%arg9 : memref<128x128xf32, #tpu.memory_space<vmem>>) dst(%dma_wait3A_77 : memref<10240x128xf32, #tpu.memory_space<vmem_shared>>)
          tpu.yield
        }) : () -> ()
      }
      %scan3A_66 = arith.constant 40 : i32
    } else {
    }
    %barrier3A_40 = arith.constant 0 : index
    tpu.barrier barrier_id(%barrier3A_40)
    %mul3A_41 = arith.constant 640 : i32
    %mul3A_42 = arith.muli %arg1, %mul3A_41 : i32
    %add3A_43 = arith.constant 0 : i32
    %add3A_44 = arith.addi %mul3A_42, %add3A_43 : i32
    "tpu.region"() ({
      %run_scoped3A = tpu.sem_alloc : memref<!tpu.dma_semaphore, #tpu.memory_space<semaphore_mem>>
      %dma_start3A = arith.constant 0 : i32
      %dma_start3A_61 = arith.constant 0 : i32
      %dma_start3A_62 = tpu.memref_slice %arg5[%arg0, %dma_start3A, %dma_start3A_61] : memref<2x10240x128xf32, #tpu.memory_space<hbm>> -> memref<1x10240x128xf32, #tpu.memory_space<hbm>>
      %dma_start3A_63 = tpu.memref_squeeze %dma_start3A_62 : memref<1x10240x128xf32, #tpu.memory_space<hbm>> -> memref<10240x128xf32, #tpu.memory_space<hbm>>
      %dma_start3A_64 = arith.constant 0 : i32
      %dma_start3A_65 = tpu.memref_slice %dma_start3A_63[%add3A_44, %dma_start3A_64] : memref<10240x128xf32, #tpu.memory_space<hbm>> -> memref<128x128xf32, #tpu.memory_space<hbm>>
      %dma_start3A_66 = arith.constant 0 : i32
      %dma_start3A_67 = tpu.memref_slice %arg10[%add3A_44, %dma_start3A_66] : memref<10240x128xf32, #tpu.memory_space<vmem_shared>> -> memref<128x128xf32, #tpu.memory_space<vmem_shared>>
      tpu.enqueue_dma source(%dma_start3A_67 : memref<128x128xf32, #tpu.memory_space<vmem_shared>>) target(%dma_start3A_65 : memref<128x128xf32, #tpu.memory_space<hbm>>) target_semaphore(%run_scoped3A : memref<!tpu.dma_semaphore, #tpu.memory_space<semaphore_mem>>)
      %dma_wait3A = arith.constant 0 : i32
      %dma_wait3A_68 = arith.constant 0 : i32
      %dma_wait3A_69 = tpu.memref_slice %arg5[%arg0, %dma_wait3A, %dma_wait3A_68] : memref<2x10240x128xf32, #tpu.memory_space<hbm>> -> memref<1x10240x128xf32, #tpu.memory_space<hbm>>
      %dma_wait3A_70 = tpu.memref_squeeze %dma_wait3A_69 : memref<1x10240x128xf32, #tpu.memory_space<hbm>> -> memref<10240x128xf32, #tpu.memory_space<hbm>>
      %dma_wait3A_71 = arith.constant 0 : i32
      %dma_wait3A_72 = tpu.memref_slice %dma_wait3A_70[%add3A_44, %dma_wait3A_71] : memref<10240x128xf32, #tpu.memory_space<hbm>> -> memref<128x128xf32, #tpu.memory_space<hbm>>
      %dma_wait3A_73 = arith.constant 0 : i32
      %dma_wait3A_74 = tpu.memref_slice %arg10[%add3A_44, %dma_wait3A_73] : memref<10240x128xf32, #tpu.memory_space<vmem_shared>> -> memref<128x128xf32, #tpu.memory_space<vmem_shared>>
      tpu.wait_dma2 semaphore(%run_scoped3A : memref<!tpu.dma_semaphore, #tpu.memory_space<semaphore_mem>>) src(%dma_wait3A_74 : memref<128x128xf32, #tpu.memory_space<vmem_shared>>) dst(%dma_wait3A_72 : memref<128x128xf32, #tpu.memory_space<hbm>>)
      tpu.yield
    }) : () -> ()
    %mul3A_45 = arith.constant 640 : i32
    %mul3A_46 = arith.muli %arg1, %mul3A_45 : i32
    %add3A_47 = arith.constant 128 : i32
    %add3A_48 = arith.addi %mul3A_46, %add3A_47 : i32
    "tpu.region"() ({
      %run_scoped3A = tpu.sem_alloc : memref<!tpu.dma_semaphore, #tpu.memory_space<semaphore_mem>>
      %dma_start3A = arith.constant 0 : i32
      %dma_start3A_61 = arith.constant 0 : i32
      %dma_start3A_62 = tpu.memref_slice %arg5[%arg0, %dma_start3A, %dma_start3A_61] : memref<2x10240x128xf32, #tpu.memory_space<hbm>> -> memref<1x10240x128xf32, #tpu.memory_space<hbm>>
      %dma_start3A_63 = tpu.memref_squeeze %dma_start3A_62 : memref<1x10240x128xf32, #tpu.memory_space<hbm>> -> memref<10240x128xf32, #tpu.memory_space<hbm>>
      %dma_start3A_64 = arith.constant 0 : i32
      %dma_start3A_65 = tpu.memref_slice %dma_start3A_63[%add3A_48, %dma_start3A_64] : memref<10240x128xf32, #tpu.memory_space<hbm>> -> memref<128x128xf32, #tpu.memory_space<hbm>>
      %dma_start3A_66 = arith.constant 0 : i32
      %dma_start3A_67 = tpu.memref_slice %arg10[%add3A_48, %dma_start3A_66] : memref<10240x128xf32, #tpu.memory_space<vmem_shared>> -> memref<128x128xf32, #tpu.memory_space<vmem_shared>>
      tpu.enqueue_dma source(%dma_start3A_67 : memref<128x128xf32, #tpu.memory_space<vmem_shared>>) target(%dma_start3A_65 : memref<128x128xf32, #tpu.memory_space<hbm>>) target_semaphore(%run_scoped3A : memref<!tpu.dma_semaphore, #tpu.memory_space<semaphore_mem>>)
      %dma_wait3A = arith.constant 0 : i32
      %dma_wait3A_68 = arith.constant 0 : i32
      %dma_wait3A_69 = tpu.memref_slice %arg5[%arg0, %dma_wait3A, %dma_wait3A_68] : memref<2x10240x128xf32, #tpu.memory_space<hbm>> -> memref<1x10240x128xf32, #tpu.memory_space<hbm>>
      %dma_wait3A_70 = tpu.memref_squeeze %dma_wait3A_69 : memref<1x10240x128xf32, #tpu.memory_space<hbm>> -> memref<10240x128xf32, #tpu.memory_space<hbm>>
      %dma_wait3A_71 = arith.constant 0 : i32
      %dma_wait3A_72 = tpu.memref_slice %dma_wait3A_70[%add3A_48, %dma_wait3A_71] : memref<10240x128xf32, #tpu.memory_space<hbm>> -> memref<128x128xf32, #tpu.memory_space<hbm>>
      %dma_wait3A_73 = arith.constant 0 : i32
      %dma_wait3A_74 = tpu.memref_slice %arg10[%add3A_48, %dma_wait3A_73] : memref<10240x128xf32, #tpu.memory_space<vmem_shared>> -> memref<128x128xf32, #tpu.memory_space<vmem_shared>>
      tpu.wait_dma2 semaphore(%run_scoped3A : memref<!tpu.dma_semaphore, #tpu.memory_space<semaphore_mem>>) src(%dma_wait3A_74 : memref<128x128xf32, #tpu.memory_space<vmem_shared>>) dst(%dma_wait3A_72 : memref<128x128xf32, #tpu.memory_space<hbm>>)
      tpu.yield
    }) : () -> ()
    %mul3A_49 = arith.constant 640 : i32
    %mul3A_50 = arith.muli %arg1, %mul3A_49 : i32
    %add3A_51 = arith.constant 256 : i32
    %add3A_52 = arith.addi %mul3A_50, %add3A_51 : i32
    "tpu.region"() ({
      %run_scoped3A = tpu.sem_alloc : memref<!tpu.dma_semaphore, #tpu.memory_space<semaphore_mem>>
      %dma_start3A = arith.constant 0 : i32
      %dma_start3A_61 = arith.constant 0 : i32
      %dma_start3A_62 = tpu.memref_slice %arg5[%arg0, %dma_start3A, %dma_start3A_61] : memref<2x10240x128xf32, #tpu.memory_space<hbm>> -> memref<1x10240x128xf32, #tpu.memory_space<hbm>>
      %dma_start3A_63 = tpu.memref_squeeze %dma_start3A_62 : memref<1x10240x128xf32, #tpu.memory_space<hbm>> -> memref<10240x128xf32, #tpu.memory_space<hbm>>
      %dma_start3A_64 = arith.constant 0 : i32
      %dma_start3A_65 = tpu.memref_slice %dma_start3A_63[%add3A_52, %dma_start3A_64] : memref<10240x128xf32, #tpu.memory_space<hbm>> -> memref<128x128xf32, #tpu.memory_space<hbm>>
      %dma_start3A_66 = arith.constant 0 : i32
      %dma_start3A_67 = tpu.memref_slice %arg10[%add3A_52, %dma_start3A_66] : memref<10240x128xf32, #tpu.memory_space<vmem_shared>> -> memref<128x128xf32, #tpu.memory_space<vmem_shared>>
      tpu.enqueue_dma source(%dma_start3A_67 : memref<128x128xf32, #tpu.memory_space<vmem_shared>>) target(%dma_start3A_65 : memref<128x128xf32, #tpu.memory_space<hbm>>) target_semaphore(%run_scoped3A : memref<!tpu.dma_semaphore, #tpu.memory_space<semaphore_mem>>)
      %dma_wait3A = arith.constant 0 : i32
      %dma_wait3A_68 = arith.constant 0 : i32
      %dma_wait3A_69 = tpu.memref_slice %arg5[%arg0, %dma_wait3A, %dma_wait3A_68] : memref<2x10240x128xf32, #tpu.memory_space<hbm>> -> memref<1x10240x128xf32, #tpu.memory_space<hbm>>
      %dma_wait3A_70 = tpu.memref_squeeze %dma_wait3A_69 : memref<1x10240x128xf32, #tpu.memory_space<hbm>> -> memref<10240x128xf32, #tpu.memory_space<hbm>>
      %dma_wait3A_71 = arith.constant 0 : i32
      %dma_wait3A_72 = tpu.memref_slice %dma_wait3A_70[%add3A_52, %dma_wait3A_71] : memref<10240x128xf32, #tpu.memory_space<hbm>> -> memref<128x128xf32, #tpu.memory_space<hbm>>
      %dma_wait3A_73 = arith.constant 0 : i32
      %dma_wait3A_74 = tpu.memref_slice %arg10[%add3A_52, %dma_wait3A_73] : memref<10240x128xf32, #tpu.memory_space<vmem_shared>> -> memref<128x128xf32, #tpu.memory_space<vmem_shared>>
      tpu.wait_dma2 semaphore(%run_scoped3A : memref<!tpu.dma_semaphore, #tpu.memory_space<semaphore_mem>>) src(%dma_wait3A_74 : memref<128x128xf32, #tpu.memory_space<vmem_shared>>) dst(%dma_wait3A_72 : memref<128x128xf32, #tpu.memory_space<hbm>>)
      tpu.yield
    }) : () -> ()
    %mul3A_53 = arith.constant 640 : i32
    %mul3A_54 = arith.muli %arg1, %mul3A_53 : i32
    %add3A_55 = arith.constant 384 : i32
    %add3A_56 = arith.addi %mul3A_54, %add3A_55 : i32
    "tpu.region"() ({
      %run_scoped3A = tpu.sem_alloc : memref<!tpu.dma_semaphore, #tpu.memory_space<semaphore_mem>>
      %dma_start3A = arith.constant 0 : i32
      %dma_start3A_61 = arith.constant 0 : i32
      %dma_start3A_62 = tpu.memref_slice %arg5[%arg0, %dma_start3A, %dma_start3A_61] : memref<2x10240x128xf32, #tpu.memory_space<hbm>> -> memref<1x10240x128xf32, #tpu.memory_space<hbm>>
      %dma_start3A_63 = tpu.memref_squeeze %dma_start3A_62 : memref<1x10240x128xf32, #tpu.memory_space<hbm>> -> memref<10240x128xf32, #tpu.memory_space<hbm>>
      %dma_start3A_64 = arith.constant 0 : i32
      %dma_start3A_65 = tpu.memref_slice %dma_start3A_63[%add3A_56, %dma_start3A_64] : memref<10240x128xf32, #tpu.memory_space<hbm>> -> memref<128x128xf32, #tpu.memory_space<hbm>>
      %dma_start3A_66 = arith.constant 0 : i32
      %dma_start3A_67 = tpu.memref_slice %arg10[%add3A_56, %dma_start3A_66] : memref<10240x128xf32, #tpu.memory_space<vmem_shared>> -> memref<128x128xf32, #tpu.memory_space<vmem_shared>>
      tpu.enqueue_dma source(%dma_start3A_67 : memref<128x128xf32, #tpu.memory_space<vmem_shared>>) target(%dma_start3A_65 : memref<128x128xf32, #tpu.memory_space<hbm>>) target_semaphore(%run_scoped3A : memref<!tpu.dma_semaphore, #tpu.memory_space<semaphore_mem>>)
      %dma_wait3A = arith.constant 0 : i32
      %dma_wait3A_68 = arith.constant 0 : i32
      %dma_wait3A_69 = tpu.memref_slice %arg5[%arg0, %dma_wait3A, %dma_wait3A_68] : memref<2x10240x128xf32, #tpu.memory_space<hbm>> -> memref<1x10240x128xf32, #tpu.memory_space<hbm>>
      %dma_wait3A_70 = tpu.memref_squeeze %dma_wait3A_69 : memref<1x10240x128xf32, #tpu.memory_space<hbm>> -> memref<10240x128xf32, #tpu.memory_space<hbm>>
      %dma_wait3A_71 = arith.constant 0 : i32
      %dma_wait3A_72 = tpu.memref_slice %dma_wait3A_70[%add3A_56, %dma_wait3A_71] : memref<10240x128xf32, #tpu.memory_space<hbm>> -> memref<128x128xf32, #tpu.memory_space<hbm>>
      %dma_wait3A_73 = arith.constant 0 : i32
      %dma_wait3A_74 = tpu.memref_slice %arg10[%add3A_56, %dma_wait3A_73] : memref<10240x128xf32, #tpu.memory_space<vmem_shared>> -> memref<128x128xf32, #tpu.memory_space<vmem_shared>>
      tpu.wait_dma2 semaphore(%run_scoped3A : memref<!tpu.dma_semaphore, #tpu.memory_space<semaphore_mem>>) src(%dma_wait3A_74 : memref<128x128xf32, #tpu.memory_space<vmem_shared>>) dst(%dma_wait3A_72 : memref<128x128xf32, #tpu.memory_space<hbm>>)
      tpu.yield
    }) : () -> ()
    %mul3A_57 = arith.constant 640 : i32
    %mul3A_58 = arith.muli %arg1, %mul3A_57 : i32
    %add3A_59 = arith.constant 512 : i32
    %add3A_60 = arith.addi %mul3A_58, %add3A_59 : i32
    "tpu.region"() ({
      %run_scoped3A = tpu.sem_alloc : memref<!tpu.dma_semaphore, #tpu.memory_space<semaphore_mem>>
      %dma_start3A = arith.constant 0 : i32
      %dma_start3A_61 = arith.constant 0 : i32
      %dma_start3A_62 = tpu.memref_slice %arg5[%arg0, %dma_start3A, %dma_start3A_61] : memref<2x10240x128xf32, #tpu.memory_space<hbm>> -> memref<1x10240x128xf32, #tpu.memory_space<hbm>>
      %dma_start3A_63 = tpu.memref_squeeze %dma_start3A_62 : memref<1x10240x128xf32, #tpu.memory_space<hbm>> -> memref<10240x128xf32, #tpu.memory_space<hbm>>
      %dma_start3A_64 = arith.constant 0 : i32
      %dma_start3A_65 = tpu.memref_slice %dma_start3A_63[%add3A_60, %dma_start3A_64] : memref<10240x128xf32, #tpu.memory_space<hbm>> -> memref<128x128xf32, #tpu.memory_space<hbm>>
      %dma_start3A_66 = arith.constant 0 : i32
      %dma_start3A_67 = tpu.memref_slice %arg10[%add3A_60, %dma_start3A_66] : memref<10240x128xf32, #tpu.memory_space<vmem_shared>> -> memref<128x128xf32, #tpu.memory_space<vmem_shared>>
      tpu.enqueue_dma source(%dma_start3A_67 : memref<128x128xf32, #tpu.memory_space<vmem_shared>>) target(%dma_start3A_65 : memref<128x128xf32, #tpu.memory_space<hbm>>) target_semaphore(%run_scoped3A : memref<!tpu.dma_semaphore, #tpu.memory_space<semaphore_mem>>)
      %dma_wait3A = arith.constant 0 : i32
      %dma_wait3A_68 = arith.constant 0 : i32
      %dma_wait3A_69 = tpu.memref_slice %arg5[%arg0, %dma_wait3A, %dma_wait3A_68] : memref<2x10240x128xf32, #tpu.memory_space<hbm>> -> memref<1x10240x128xf32, #tpu.memory_space<hbm>>
      %dma_wait3A_70 = tpu.memref_squeeze %dma_wait3A_69 : memref<1x10240x128xf32, #tpu.memory_space<hbm>> -> memref<10240x128xf32, #tpu.memory_space<hbm>>
      %dma_wait3A_71 = arith.constant 0 : i32
      %dma_wait3A_72 = tpu.memref_slice %dma_wait3A_70[%add3A_60, %dma_wait3A_71] : memref<10240x128xf32, #tpu.memory_space<hbm>> -> memref<128x128xf32, #tpu.memory_space<hbm>>
      %dma_wait3A_73 = arith.constant 0 : i32
      %dma_wait3A_74 = tpu.memref_slice %arg10[%add3A_60, %dma_wait3A_73] : memref<10240x128xf32, #tpu.memory_space<vmem_shared>> -> memref<128x128xf32, #tpu.memory_space<vmem_shared>>
      tpu.wait_dma2 semaphore(%run_scoped3A : memref<!tpu.dma_semaphore, #tpu.memory_space<semaphore_mem>>) src(%dma_wait3A_74 : memref<128x128xf32, #tpu.memory_space<vmem_shared>>) dst(%dma_wait3A_72 : memref<128x128xf32, #tpu.memory_space<hbm>>)
      tpu.yield
    }) : () -> ()
    return
  }
}

module attributes {stable_mosaic.version = 14 : i64} {
  func.func @_tc_body(%arg0: i32, %arg1: memref<2000x128xf32, #tpu.memory_space<vmem>>, %arg2: memref<2000x128xf32, #tpu.memory_space<vmem>>, %arg3: memref<2000x16xf32, #tpu.memory_space<vmem>>, %arg4: memref<128x128xf32, #tpu.memory_space<vmem>>, %arg5: memref<128x128xf32, #tpu.memory_space<vmem>>, %arg6: memref<1x128xf32, #tpu.memory_space<vmem>>, %arg7: memref<1x128xf32, #tpu.memory_space<vmem>>, %arg8: memref<1x1xf32, #tpu.memory_space<vmem>>, %arg9: memref<1x1xf32, #tpu.memory_space<vmem>>, %arg10: memref<8x128xf32, #tpu.memory_space<vmem>>) attributes {dimension_semantics = [#tpu.dimension_semantics<arbitrary>], iteration_bounds = array<i64: 5>, scalar_prefetch = 0 : i64, scratch_operands = 1 : i64, tpu.core_type = #tpu.core_type<tc>, window_params = [{transform_indices = @transform_0, window_bounds = array<i64: 2000, 128>}, {transform_indices = @transform_1, window_bounds = array<i64: 2000, 128>}, {transform_indices = @transform_2, window_bounds = array<i64: 2000, 16>}, {pipeline_mode = #tpu.pipeline_mode<synchronous>, transform_indices = @transform_3, window_bounds = array<i64: 128, 128>}, {pipeline_mode = #tpu.pipeline_mode<synchronous>, transform_indices = @transform_4, window_bounds = array<i64: 128, 128>}, {pipeline_mode = #tpu.pipeline_mode<synchronous>, transform_indices = @transform_5, window_bounds = array<i64: 1, 128>}, {pipeline_mode = #tpu.pipeline_mode<synchronous>, transform_indices = @transform_6, window_bounds = array<i64: 1, 128>}, {pipeline_mode = #tpu.pipeline_mode<synchronous>, transform_indices = @transform_7, window_bounds = array<i64: 1, 1>}, {pipeline_mode = #tpu.pipeline_mode<synchronous>, transform_indices = @transform_8, window_bounds = array<i64: 1, 1>}]} {
    %eq3A = arith.constant 0 : i32
    %eq3A_0 = arith.cmpi eq, %arg0, %eq3A : i32
    %convert_element_type3A = arith.extui %eq3A_0 : i1 to i32
    %cond3A = arith.constant 0 : i32
    %cond3A_1 = arith.cmpi ne, %convert_element_type3A, %cond3A : i32
    scf.if %cond3A_1 {
      %broadcast_in_dim3A = arith.constant 0.000000e+00 : f32
      %broadcast_in_dim3A_42 = vector.broadcast %broadcast_in_dim3A : f32 to vector<8x128xf32>
      %swap3A_43 = arith.constant 0 : index
      %swap3A_44 = arith.constant 0 : index
      %swap3A_45 = vector.load %arg10[%swap3A_43, %swap3A_44] : memref<8x128xf32, #tpu.memory_space<vmem>>, vector<8x128xf32>
      tpu.vector_store %arg10[%swap3A_43, %swap3A_44], %broadcast_in_dim3A_42 {strides = array<i32>} : memref<8x128xf32, #tpu.memory_space<vmem>>, vector<8x128xf32>,
    } else {
    }
    %get3A = arith.constant 0 : index
    %get3A_2 = arith.constant 0 : index
    %get3A_3 = vector.load %arg3[%get3A, %get3A_2] : memref<2000x16xf32, #tpu.memory_space<vmem>>, vector<2000x1xf32>
    %max3A = arith.constant 1.000000e+00 : f32
    %max3A_4 = vector.broadcast %max3A : f32 to vector<2000x1xf32>
    %max3A_5 = arith.maximumf %get3A_3, %max3A_4 : vector<2000x1xf32>
    %get3A_6 = arith.constant 0 : index
    %get3A_7 = arith.constant 0 : index
    %get3A_8 = vector.load %arg2[%get3A_6, %get3A_7] : memref<2000x128xf32, #tpu.memory_space<vmem>>, vector<2000x128xf32>
    %div3A = vector.broadcast %max3A_5 : vector<2000x1xf32> to vector<2000x128xf32>
    %div3A_9 = arith.divf %get3A_8, %div3A : vector<2000x128xf32>
    %get3A_10 = arith.constant 0 : index
    %get3A_11 = arith.constant 0 : index
    %get3A_12 = vector.load %arg4[%get3A_10, %get3A_11] : memref<128x128xf32, #tpu.memory_space<vmem>>, vector<128x128xf32>
    %dot_general3A = arith.constant dense<0.000000e+00> : vector<2000x128xf32>
    %dot_general3A_13 = tpu.matmul %div3A_9, %get3A_12, %dot_general3A {dimension_numbers = #tpu.dot_dimension_numbers<[1], [1], [0], [0], [0, 0, 1, 0], [], []>, precision = #tpu.contract_precision<fp32>, transpose_lhs_hint = false} : vector<2000x128xf32>, vector<128x128xf32>, vector<2000x128xf32> -> vector<2000x128xf32>
    %get3A_14 = arith.constant 0 : index
    %get3A_15 = arith.constant 0 : index
    %get3A_16 = vector.load %arg1[%get3A_14, %get3A_15] : memref<2000x128xf32, #tpu.memory_space<vmem>>, vector<2000x128xf32>
    %get3A_17 = arith.constant 0 : index
    %get3A_18 = arith.constant 0 : index
    %get3A_19 = vector.load %arg5[%get3A_17, %get3A_18] : memref<128x128xf32, #tpu.memory_space<vmem>>, vector<128x128xf32>
    %dot_general3A_20 = arith.constant dense<0.000000e+00> : vector<2000x128xf32>
    %dot_general3A_21 = tpu.matmul %get3A_16, %get3A_19, %dot_general3A_20 {dimension_numbers = #tpu.dot_dimension_numbers<[1], [1], [0], [0], [0, 0, 1, 0], [], []>, precision = #tpu.contract_precision<fp32>, transpose_lhs_hint = false} : vector<2000x128xf32>, vector<128x128xf32>, vector<2000x128xf32> -> vector<2000x128xf32>
    %add3A = arith.addf %dot_general3A_13, %dot_general3A_21 : vector<2000x128xf32>
    %get3A_22 = arith.constant 0 : index
    %get3A_23 = arith.constant 0 : index
    %get3A_24 = vector.load %arg6[%get3A_22, %get3A_23] : memref<1x128xf32, #tpu.memory_space<vmem>>, vector<1x128xf32>
    %add3A_25 = vector.broadcast %get3A_24 : vector<1x128xf32> to vector<2000x128xf32>
    %add3A_26 = arith.addf %add3A, %add3A_25 : vector<2000x128xf32>
    %max3A_27 = arith.constant 0.000000e+00 : f32
    %max3A_28 = vector.broadcast %max3A_27 : f32 to vector<2000x128xf32>
    %max3A_29 = arith.maximumf %add3A_26, %max3A_28 : vector<2000x128xf32>
    %get3A_30 = arith.constant 0 : index
    %get3A_31 = arith.constant 0 : index
    %get3A_32 = vector.load %arg10[%get3A_30, %get3A_31] : memref<8x128xf32, #tpu.memory_space<vmem>>, vector<8x128xf32>
    %reshape3A = vector.shape_cast %max3A_29 : vector<2000x128xf32> to vector<250x8x128xf32>
    %reduce_sum3A = arith.constant dense<0.000000e+00> : vector<8x128xf32>
    %reduce_sum3A_33 = vector.multi_reduction <add>, %reshape3A, %reduce_sum3A [0] : vector<250x8x128xf32> to vector<8x128xf32>
    %add3A_34 = arith.addf %get3A_32, %reduce_sum3A_33 : vector<8x128xf32>
    %swap3A = arith.constant 0 : index
    %swap3A_35 = arith.constant 0 : index
    %swap3A_36 = vector.load %arg10[%swap3A, %swap3A_35] : memref<8x128xf32, #tpu.memory_space<vmem>>, vector<8x128xf32>
    tpu.vector_store %arg10[%swap3A, %swap3A_35], %add3A_34 {strides = array<i32>} : memref<8x128xf32, #tpu.memory_space<vmem>>, vector<8x128xf32>,
    %eq3A_37 = arith.constant 4 : i32
    %eq3A_38 = arith.cmpi eq, %arg0, %eq3A_37 : i32
    %convert_element_type3A_39 = arith.extui %eq3A_38 : i1 to i32
    %cond3A_40 = arith.constant 0 : i32
    %cond3A_41 = arith.cmpi ne, %convert_element_type3A_39, %cond3A_40 : i32
    scf.if %cond3A_41 {
      %get3A_42 = arith.constant 0 : index
      %get3A_43 = arith.constant 0 : index
      %get3A_44 = vector.load %arg10[%get3A_42, %get3A_43] : memref<8x128xf32, #tpu.memory_space<vmem>>, vector<8x128xf32>
      %reduce_sum3A_45 = arith.constant dense<0.000000e+00> : vector<128xf32>
      %reduce_sum3A_46 = vector.multi_reduction <add>, %get3A_44, %reduce_sum3A_45 [0] : vector<8x128xf32> to vector<128xf32>
      %broadcast_in_dim3A = vector.shape_cast %reduce_sum3A_46 : vector<128xf32> to vector<1x128xf32>
      %mul3A = arith.constant 9.99999974E-5 : f32
      %mul3A_47 = vector.broadcast %mul3A : f32 to vector<1x128xf32>
      %mul3A_48 = arith.mulf %broadcast_in_dim3A, %mul3A_47 : vector<1x128xf32>
      %get3A_49 = arith.constant 0 : index
      %get3A_50 = arith.constant 0 : index
      %get3A_51 = vector.load %arg7[%get3A_49, %get3A_50] : memref<1x128xf32, #tpu.memory_space<vmem>>, vector<1x128xf32>
      %mul3A_52 = arith.mulf %mul3A_48, %get3A_51 : vector<1x128xf32>
      %reduce_sum3A_53 = arith.constant dense<0.000000e+00> : vector<1xf32>
      %reduce_sum3A_54 = vector.multi_reduction <add>, %mul3A_52, %reduce_sum3A_53 [1] : vector<1x128xf32> to vector<1xf32>
      %broadcast_in_dim3A_55 = vector.shape_cast %reduce_sum3A_54 : vector<1xf32> to vector<1x1xf32>
      %get3A_56 = arith.constant 0 : index
      %get3A_57 = arith.constant 0 : index
      %get3A_58 = vector.load %arg8[%get3A_56, %get3A_57] : memref<1x1xf32, #tpu.memory_space<vmem>>, vector<1x1xf32>
      %add3A_59 = arith.addf %broadcast_in_dim3A_55, %get3A_58 : vector<1x1xf32>
      %swap3A_60 = arith.constant 0 : index
      %swap3A_61 = arith.constant 0 : index
      %swap3A_62 = vector.load %arg9[%swap3A_60, %swap3A_61] : memref<1x1xf32, #tpu.memory_space<vmem>>, vector<1x1xf32>
      tpu.vector_store %arg9[%swap3A_60, %swap3A_61], %add3A_59 {strides = array<i32>} : memref<1x1xf32, #tpu.memory_space<vmem>>, vector<1x1xf32>,
    } else {
    }
    return
  }
  func.func @transform_0(%arg0: i32) -> (i32, i32) {
    %c0_i32 = arith.constant 0 : i32
    %c0_i32_0 = arith.constant 0 : i32
    return %arg0, %c0_i32 : i32, i32
  }
  func.func @transform_1(%arg0: i32) -> (i32, i32) {
    %c0_i32 = arith.constant 0 : i32
    %c0_i32_0 = arith.constant 0 : i32
    return %arg0, %c0_i32 : i32, i32
  }
  func.func @transform_2(%arg0: i32) -> (i32, i32) {
    %c0_i32 = arith.constant 0 : i32
    %c0_i32_0 = arith.constant 0 : i32
    return %arg0, %c0_i32 : i32, i32
  }
  func.func @transform_3(%arg0: i32) -> (i32, i32) {
    %c0_i32 = arith.constant 0 : i32
    %c0_i32_0 = arith.constant 0 : i32
    %c0_i32_1 = arith.constant 0 : i32
    return %c0_i32, %c0_i32_0 : i32, i32
  }
  func.func @transform_4(%arg0: i32) -> (i32, i32) {
    %c0_i32 = arith.constant 0 : i32
    %c0_i32_0 = arith.constant 0 : i32
    %c0_i32_1 = arith.constant 0 : i32
    return %c0_i32, %c0_i32_0 : i32, i32
  }
  func.func @transform_5(%arg0: i32) -> (i32, i32) {
    %c0_i32 = arith.constant 0 : i32
    %c0_i32_0 = arith.constant 0 : i32
    %c0_i32_1 = arith.constant 0 : i32
    return %c0_i32, %c0_i32_0 : i32, i32
  }
  func.func @transform_6(%arg0: i32) -> (i32, i32) {
    %c0_i32 = arith.constant 0 : i32
    %c0_i32_0 = arith.constant 0 : i32
    %c0_i32_1 = arith.constant 0 : i32
    return %c0_i32, %c0_i32_0 : i32, i32
  }
  func.func @transform_7(%arg0: i32) -> (i32, i32) {
    %c0_i32 = arith.constant 0 : i32
    %c0_i32_0 = arith.constant 0 : i32
    %c0_i32_1 = arith.constant 0 : i32
    return %c0_i32, %c0_i32_0 : i32, i32
  }
  func.func @transform_8(%arg0: i32) -> (i32, i32) {
    %c0_i32 = arith.constant 0 : i32
    %c0_i32_0 = arith.constant 0 : i32
    %c0_i32_1 = arith.constant 0 : i32
    return %c0_i32, %c0_i32_0 : i32, i32
  }
}

</mosaic_0001>

<sc_bundles>
// kernel: kernel.4.cloned.1.call-start
scs
__scs_entry_jumppad:
0x0: {  	(pc) =	sbr.rel $0x88, $3  }
0x1: {  	(tag) =	ssettag $0x0;
	lr =	simm.s32 $0x1  }
0x2: {  	[smem:$0x3F9A] =	sst lr;
	_ =	strace $0xD0000000  }
0x3: {  	_ = 	snop  }
0x4: {  	_ = 	snop  }
0x5: {  	_ = 	snop  }
0x6: {  	_ = 	snop  }
0x7: {  	_ = 	snop  }
__scs_overlays_trampoline_lowered:
0x8: {  	[smem:$0x3FA9] =	sst s0  }
0x9: {  	[smem:$0x3FAA] =	sst s1  }
0xa: {  	[smem:$0x3FAB] =	sst s2  }
0xb: {  	[smem:$0x3FAC] =	sst s3  }
0xc: {  	[smem:$0x3FAD] =	sst s4  }
0xd: {  	[smem:$0x3FAE] =	sst s5  }
0xe: {  	[smem:$0x3FAF] =	sst s6  }
0xf: {  	[smem:$0x3FB0] =	sst s7  }
0x10: {  	[smem:$0x3FB1] =	sst s8  }
0x11: {  	[smem:$0x3FB2] =	sst s9;
	s0 =	simm.s32 @!p0 $0x0  }
0x12: {  	s1 =	sld [smem:$0x3F98];
	s0 =	simm.s32 @p0 $0x1  }
0x13: {  	[smem:$0x3FB3] =	sst s0;
	s0 =	simm.s32 @!p1 $0x0  }
0x14: {  	s2 =	sld [smem:$0x3F97];
	s0 =	simm.s32 @p1 $0x1  }
0x15: {  	[smem:$0x3FB4] =	sst s0;
	s0 =	simm.s32 @!p2 $0x0  }
0x16: {  	s3 =	sld [smem:$0x3FDB];
	s0 =	simm.s32 @p2 $0x1  }
0x17: {  	s4 =	simm.s32 $0x1BF5;
	[smem:$0x3FB6] =	sst s0  }
0x18: {  	s0 =	sld [smem:$0x3F99];
	_ =	swait.ge [sflag:s4], $0x0  }
0x19: {  	s7 =	sld [smem:$0x3F9A]  }
0x1a: {  	s8 =	sadd.s32 $0xFFFFE003, lr  }
0x1b: {  	s9 =	sadd.s32 $0xFFFFFEF7, lr;
	s5 =	simm.s32 $0xFFFFFFFF;
	p2 =	slt.u32 s8, $0xFFFFF086  }
0x1c: {  	p1 =	slt.u32 s9, $0xF7A;
	s5 =	simm.s32 @!p2 $0x0  }
0x1d: {  	s5 =	simm.s32 @p1 $0x1;
	p0 =	seq.s32 s7, s2  }
0x1e: {  	s7 =	smul.u32 @!p0 $0xF7A, s2;
	p2 =	seq.s32 @!p0 s5, $0x0  }
0x1f: {  	s9 =	smul.u32 $0xF7A, s1;
	s8 =	simm.s32 @!p0 $0x1BF5;
	p2 =	por !p2, p0  }
0x20: {  	[sflag:s8] =	ssyncset.s32 @!p0 $0xFFFFF086;
	s6 =	sadd.s32 @!p0 s3, s7;
	s7 =	simm.s32 @!p0 $0x108  }
0x21: {  	s3 =	sadd.s32 s3, s9;
	s6 =	sadd.s32 @!p0 $0x88, s6;
	s7 =	simm.s32 @p2 $0x1082  }
0x22: {  	[simem:s7], [sflag:s8] =	dma.local @!p0 [hbm:s6], $0xF7A  }
0x23: {  	s9 =	sor.u32 $0xD0000000, s2;
	s6 =	simm.s32 $0x108;
	_ =	swait.ge @!p0 [sflag:s8], $0x0  }
0x24: {  	s3 =	sadd.s32 $0x88, s3;
	s6 =	simm.s32 @!p1 $0x1082;
	[sflag:s4] =	ssyncset.s32 $0xFFFFF086  }
0x25: {  	[simem:s6], [sflag:s4] =	dma.local [hbm:s3], $0xF7A  }
0x26: {  	[smem:$0x3F9A] =	sst s1;
	(tag) =	ssettag s2;
	_ =	strace s9  }
0x27: {  	s1 =	sld [smem:$0x3FAA]  }
0x28: {  	s2 =	sld [smem:$0x3FAB]  }
0x29: {  	s4 =	sld [smem:$0x3FAD]  }
0x2a: {  	p0 =	seq.s32 s5, $0x0;
	s5 =	sld [smem:$0x3FAE]  }
0x2b: {  	s6 =	sld [smem:$0x3FAF]  }
0x2c: {  	s7 =	sld [smem:$0x3FB0]  }
0x2d: {  	s3 =	simm.s32 $0x108;
	s8 =	sld [smem:$0x3FB1]  }
0x2e: {  	s3 =	simm.s32 @!p0 $0x1082;
	s9 =	sld [smem:$0x3FB2]  }
0x2f: {  	lr =	sadd.s32 s0, s3;
	s0 =	sld [smem:$0x3FA9]  }
0x30: {  	s3 =	sld [smem:$0x3FAC]  }
0x31: {  	[smem:$0x3FB5] =	sst s10  }
0x32: {  	s10 =	sld [smem:$0x3FB3];
	_ =	sdelay $0x3  }
0x33: {  	p0 =	seq.s32 s10, $0x1;
	s10 =	sld [smem:$0x3FB5];
	_ =	sdelay $0x3  }
0x34: {  	[smem:$0x3FB5] =	sst s10  }
0x35: {  	s10 =	sld [smem:$0x3FB4];
	_ =	sdelay $0x3  }
0x36: {  	p1 =	seq.s32 s10, $0x1;
	s10 =	sld [smem:$0x3FB5];
	_ =	sdelay $0x3  }
0x37: {  	[smem:$0x3FB5] =	sst s10  }
0x38: {  	s10 =	sld [smem:$0x3FB6]  }
0x39: {  	_ = 	snop;
	(pc) =	sbr.ind lr, $3  }
0x3a: {  	_ = 	snop  }
0x3b: {  	_ = 	snop  }
0x3c: {  	p2 =	seq.s32 s10, $0x1;
	s10 =	sld [smem:$0x3FB5]  }
0x3d: {  	_ =	shalt  }
0x3e: {  	_ =	shalt  }
0x3f: {  	_ =	shalt  }
0x40: {  	_ =	shalt  }
0x41: {  	_ =	shalt  }
0x42: {  	_ =	shalt  }
0x43: {  	_ =	shalt  }
0x44: {  	_ =	shalt  }
0x45: {  	_ =	shalt  }
0x46: {  	_ =	shalt  }
0x47: {  	_ =	shalt  }
0x48: {  	_ =	shalt  }
0x49: {  	_ =	shalt  }
0x4a: {  	_ =	shalt  }
0x4b: {  	_ =	shalt  }
0x4c: {  	_ =	shalt  }
0x4d: {  	_ =	shalt  }
0x4e: {  	_ =	shalt  }
0x4f: {  	_ =	shalt  }
0x50: {  	_ =	shalt  }
0x51: {  	_ =	shalt  }
0x52: {  	_ =	shalt  }
0x53: {  	_ =	shalt  }
0x54: {  	_ =	shalt  }
0x55: {  	_ =	shalt  }
0x56: {  	_ =	shalt  }
0x57: {  	_ =	shalt  }
0x58: {  	_ =	shalt  }
0x59: {  	_ =	shalt  }
0x5a: {  	_ =	shalt  }
0x5b: {  	_ =	shalt  }
0x5c: {  	_ =	shalt  }
0x5d: {  	_ =	shalt  }
0x5e: {  	_ =	shalt  }
0x5f: {  	_ =	shalt  }
0x60: {  	_ =	shalt  }
0x61: {  	_ =	shalt  }
0x62: {  	_ =	shalt  }
0x63: {  	_ =	shalt  }
0x64: {  	_ =	shalt  }
0x65: {  	_ =	shalt  }
0x66: {  	_ =	shalt  }
0x67: {  	_ =	shalt  }
0x68: {  	_ =	shalt  }
0x69: {  	_ =	shalt  }
0x6a: {  	_ =	shalt  }
0x6b: {  	_ =	shalt  }
0x6c: {  	_ =	shalt  }
0x6d: {  	_ =	shalt  }
0x6e: {  	_ =	shalt  }
0x6f: {  	_ =	shalt  }
0x70: {  	_ =	shalt  }
0x71: {  	_ =	shalt  }
0x72: {  	_ =	shalt  }
0x73: {  	_ =	shalt  }
0x74: {  	_ =	shalt  }
0x75: {  	_ =	shalt  }
0x76: {  	_ =	shalt  }
0x77: {  	_ =	shalt  }
0x78: {  	_ =	shalt  }
0x79: {  	_ =	shalt  }
0x7a: {  	_ =	shalt  }
0x7b: {  	_ =	shalt  }
0x7c: {  	_ =	shalt  }
0x7d: {  	_ =	shalt  }
0x7e: {  	_ =	shalt  }
0x7f: {  	_ =	shalt  }
0x80: {  	_ =	shalt  }
0x81: {  	_ =	shalt  }
0x82: {  	_ =	shalt  }
0x83: {  	_ =	shalt  }
0x84: {  	_ =	shalt  }
0x85: {  	_ =	shalt  }
0x86: {  	_ =	shalt  }
0x87: {  	_ =	shalt  }
.Lfunc_end0:
.L_simem_size_0:
called_computation_lowered:
.L_overlay_start_0:
0x88: {  	s2 =	sld [smem:$0x3FD9]  }
0x89: {  	s3 =	sld [smem:$0x3FFE];
	_ =	sdelay $0x1  }
0x8a: {  	s1 =	srdreg.scid  }
0x8b: {  	s0 =	sand.u32 $0x1, s1  }
0x8c: {  	s17 =	sshll.u32 s0, $0xA;
	s2 =	sadd.s32 s3, s2  }
0x8d: {  	s2 =	sadd.s32 s2, s17  }
0x8e: {  	[smem:$0x3FC1] =	sst s2  }
0x8f: {  	_ = 	snop  }
0x90: {  	s2 =	sld [smem:$0x3FC9];
	(tm) =	ssettm $0x1  }
0x91: {  	s18 =	sld [smem:$0x3FFB];
	_ =	sdelay $0x3  }
0x92: {  	_ =	strace s18  }
0x93: {  	s3 =	sld [smem:$0x3FFC];
	_ =	sdelay $0x3  }
0x94: {  	_ =	strace s3  }
0x95: {  	s3 =	sld [smem:$0x3FFD];
	_ =	sdelay $0x3  }
0x96: {  	_ =	strace s3  }
0x97: {  	_ =	strace $0x8FFFFFFF  }
0x98: {  	s19 =	sld [smem:$0x3FDB];
	_ =	sdelay $0x1  }
0x99: {  	s4 =	simm.s32 $_scs_section_size  }
0x9a: {  	s5 =	simm.s32 $_size__tile_overlayer_lowered;
	s6 =	simm.s32 $_tile_overlayer_lowered  }
0x9b: {  	s22 =	simm.s32 $0x1BFF;
	s21 =	sshll.u32 s6, $0x1;
	s3 =	sadd.s32 s4, s19  }
0x9c: {  	s7 =	simm.s32 $0x0;
	s20 =	sshll.u32 s5, $0x1;
	s5 =	sadd.s32 s21, s3  }
0x9d: {  	[timem:s7], [sflag:s22] =	dma.local [hbm:s5], s20  }
0x9e: {  	_ =	swait.ge [sflag:s22], s20  }
0x9f: {  	s4 =	ssub.s32 $0x0, s20;
	[sflag:s22] =	ssyncset.done $0x0  }
0xa0: {  	[sflag:s22] =	ssyncadd.s32 s4;
	_ =	sdelay $0x1  }
0xa1: {  	s23 =	simm.s32 $0x1B8B  }
0xa2: {  	_ =	swait.ge [sflag:s23], $0x1  }
0xa3: {  	[sflag:s23] =	ssyncset.done $0x0  }
0xa4: {  	s25 =	simm.s32 $0x1B8E;
	s24 =	sld [smem:$0x3FFE];
	[sflag:s23] =	ssyncadd.s32 $0xFFFFFFFF  }
0xa5: {  	s26 =	simm.s32 $execute0_lowered;
	[smem:$0x3FD2] =	sst s25  }
0xa6: {  	s5 =	sshll.u32 s26, $0x1;
	_ =	strace $0x80000046;
	[dreg:$0x1] =	wrdreg $0xFFFFFFFF  }
0xa7: {  	s28 =	simm.s32 $_size_execute0_lowered;
	s3 =	sadd.s32 s3, s5;
	[dreg:$0x0] =	wrdreg $0x0  }
0xa8: {  	s5 =	sshll.u32 s28, $0x1;
	[dreg:$0x2] =	wrdreg s3  }
0xa9: {  	[dreg:$0x3] =	wrdreg s5  }
0xaa: {  	[dreg:$0x4] =	wrdreg $0xC0  }
0xab: {  	_ =	task [dreg:s7], $0x5FFFF  }
0xac: {  	[dreg:$0x1] =	wrdreg $0xFFFFFFFF  }
0xad: {  	[dreg:$0x0] =	wrdreg $0x60  }
0xae: {  	[dreg:$0x2] =	wrdreg s2  }
0xaf: {  	[dreg:$0x3] =	wrdreg s24  }
0xb0: {  	[dreg:$0x4] =	wrdreg $0xA8000  }
0xb1: {  	[dreg:$0x5] =	wrdreg $0x9  }
0xb2: {  	_ =	task.clear_ibuf [dreg:s7], $0x6FFFF;
	_ =	strace $0x90000046  }
0xb3: {  	s29 =	simm.s32 $0x9;
	_ =	strace $0x80000048  }
0xb4: {  	_ =	swait.ge [sflag:s29], $0x1  }
0xb5: {  	[sflag:s29] =	ssyncadd.s32 $0xFFFFFFFF  }
0xb6: {  	_ =	strace $0x90000048  }
0xb7: {  	_ =	sfence  }
0xb8: {  	s30 =	sld [smem:$0x0];
	_ =	sdelay $0x2  }
0xb9: {  	s31 =	sshll.u32 s1, $0xD;
	s1 =	sshrl.u32 s1, $0x2  }
0xba: {  	s3 =	sand.u32 $0x4000, s31;
	s1 =	sadd.s32 s1, s30  }
0xbb: {  	s0 =	sor.u32 s3, s0;
	s1 =	sshll.u32 s1, $0x11  }
0xbc: {  	s0 =	sor.u32 s1, s0  }
0xbd: {  	s0 =	sadd.s32 $0x8F2B, s0  }
0xbe: {  	[sflag:s0] =	ssyncadd.remote.s32 $0x1  }
0xbf: {  	_ =	sfence.sel $0xFFFF  }
0xc0: {  	[dreg:$0x0] =	wrdreg $0xFFFFFFFF;
	(pc) =	sbr.abs _section_cstart, $3  }
0xc1: {  	[dreg:$0x1] =	wrdreg $0xFFFFFFFF  }
0xc2: {  	_ =	task.clear_ibuf [dreg:s7], $0x2FFFF;
	_ =	strace $0x9FFFFFFF  }
0xc3: {  	(tm) =	ssettm $0x7FFFFFFF  }
tec
execute0_lowered:
.L_overlay_start_1:
0x0: {  	(tag) =	ssettag $0x1  }
0x1: {  	s1 =	rddreg [dreg:$0x0]  }
0x2: {  	s5 =	rddreg [dreg:$0x1];
	s0 =	stileid.u32  }
0x3: {  	s2 =	srdreg.scid;
	s6 =	smul.u32 $0x500, s0  }
0x4: {  	s3 =	rddreg [dreg:$0x2];
	s8 =	smul.u32 $0x280, s0  }
0x5: {  	s4 =	simm.s32 $0x0;
	s19 =	simm.s32 $0x2;
	s25 =	smul.u32 $0x50000, s0  }
0x6: {  	s13 =	sand.u32 $0x1, s2;
	[smem:$0x7FF] =	sst s4;
	s20 =	smul.u32 $0x2800, s0  }
0x7: {  	s2 =	rddreg [dreg:$0x3];
	s7 =	smul.u32 $0x28000, s13;
	_ =	strace $0x80000047  }
0x8: {  	s26 =	ssub.s32 $0x2, s13;
	p0 =	sne.s32 s13, $0x0;
	s13 =	simm.s32 $0x2800  }
0x9: {  	s11 =	sadd.s32 s6, s5;
	s14 =	sadd.s32 $0x80, s8;
	s28 =	sshrl.u32 s26, $0x1  }
0xa: {  	s6 =	sshrl.u32 s25, $0x2;
	s16 =	sadd.s32 $0x100, s8;
	s17 =	sadd.s32 $0x180, s8  }
0xb: {  	s18 =	sadd.s32 $0x200, s8;
	s12 =	sadd.s32 s7, s5;
	s9 =	sshll.u32 s14, $0x7  }
0xc: {  	s15 =	ssub.s32 s26, s28;
	s5 =	sadd.s32 s6, s3;
	s29 =	sshll.u32 s16, $0x7  }
0xd: {  	s30 =	sshll.u32 s17, $0x7;
	s31 =	sshll.u32 s18, $0x7;
	s10 =	sadd.s32 $0x5C00, s11  }
0xe: {  	s11 =	sadd.s32 $0xC00, s11;
	s21 =	sshll.u32 s14, $0x4;
	s22 =	sshll.u32 s16, $0x4  }
0xf: {  	s23 =	sshll.u32 s17, $0x4;
	s25 =	sshll.u32 s18, $0x4;
	s14 =	simm.s32 $0x3  }
0x10: {  	s16 =	simm.s32 $0x80;
	s17 =	simm.s32 $0x6800;
	s18 =	simm.s32 $0x1  }
.Ltmp0:
0x11: {  	s26 =	simm.s32 $0x2780;
	s6 =	sadd.s32 s9, s3;
	(pc) =	sbr.rel .LBB2_1-.Ltmp0, $4  }
0x12: {  	s7 =	sadd.s32 s29, s3;
	s8 =	sadd.s32 s30, s3;
	s9 =	sadd.s32 s31, s3  }
0x13: {  	s24 =	sadd.s32 $0xAC00, s12;
	s12 =	smax.u32 s15, $0x1;
	s15 =	simm.s32 $0x1400  }
0x14: {  	s20 =	sadd.s32 s20, s24;
	s21 =	sadd.s32 s21, s24;
	s22 =	sadd.s32 s22, s24  }
0x15: {  	v0 =	vimm.f32 $0.0e+00;
	v1 =	vimm.f32 $1.000000000e+00;
	s23 =	sadd.s32 s23, s24;
	s24 =	sadd.s32 s25, s24;
	s25 =	simm.s32 $0x2700  }
.LBB2_13:
0x16: {  	[sflag:s14] =	ssyncset.done $0x0  }
0x17: {  	[sflag:s14] =	ssyncadd.s32 $0xFFFFC000  }
.LBB2_14:
0x18: {  	s28 =	sshll.u32 s0, $0x6  }
0x19: {  	[bflag:$0x0] =	sbarrier.arrive $0xFFFF;
	s29 =	sshrl.u32 s5, $0x3;
	s28 =	sor.u32 $0x1C03, s28  }
0x1a: {  	[hbm:s20], [sflag:s28] =	dma.local [spmem:s29], $0x800  }
0x1b: {  	_ =	swait.ge [sflag:s14], $0x800  }
0x1c: {  	[sflag:s14] =	ssyncset.done $0x0  }
0x1d: {  	s30 =	sshrl.u32 s6, $0x3;
	[sflag:s14] =	ssyncadd.s32 $0xFFFFF800  }
0x1e: {  	[hbm:s21], [sflag:s28] =	dma.local [spmem:s30], $0x800  }
0x1f: {  	_ =	swait.ge [sflag:s14], $0x800  }
0x20: {  	[sflag:s14] =	ssyncset.done $0x0  }
0x21: {  	s31 =	sshrl.u32 s7, $0x3;
	[sflag:s14] =	ssyncadd.s32 $0xFFFFF800  }
0x22: {  	[hbm:s22], [sflag:s28] =	dma.local [spmem:s31], $0x800  }
0x23: {  	_ =	swait.ge [sflag:s14], $0x800  }
0x24: {  	[sflag:s14] =	ssyncset.done $0x0  }
0x25: {  	s30 =	sshrl.u32 s8, $0x3;
	[sflag:s14] =	ssyncadd.s32 $0xFFFFF800  }
0x26: {  	[hbm:s23], [sflag:s28] =	dma.local [spmem:s30], $0x800  }
0x27: {  	s4 =	sadd.s32 $0x1, s4;
	_ =	swait.ge [sflag:s14], $0x800  }
0x28: {  	p1 =	sne.s32 s4, s12;
	[sflag:s14] =	ssyncset.done $0x0  }
.Ltmp1:
0x29: {  	s31 =	sshrl.u32 s9, $0x3;
	[sflag:s14] =	ssyncadd.s32 $0xFFFFF800;
	(pc) =	sbr.rel @!p1 .LBB2_15-.Ltmp1, $4  }
0x2a: {  	[hbm:s24], [sflag:s28] =	dma.local [spmem:s31], $0x800  }
0x2b: {  	_ =	swait.ge [sflag:s14], $0x800  }
0x2c: {  	[sflag:s14] =	ssyncset.done $0x0  }
0x2d: {  	[sflag:s14] =	ssyncadd.s32 $0xFFFFF800  }
.LBB2_1:
0x2e: {  	s28 =	simm.s32 $0x40;
	s29 =	simm.s32 $0x0  }
.LBB2_2:
0x2f: {  	p1 =	sne.s32 s28, $0xFFC0;
	[tilespmem:s29+$0x2800] =	vst v0;
	s30 =	smov.u32 s28;
	s28 =	sadd.s32 $0x40, s28  }
.Ltmp2:
0x30: {  	[tilespmem:s29+$0x6800] =	vst v1;
	(pc) =	sbr.rel @p1 .LBB2_2-.Ltmp2, $2  }
0x31: {  	_ =	sdelay $0x2  }
0x32: {  	s29 =	sshra.s32 s30, $0x2  }
0x33: {  	[tilespmem:s29+$0x2800] =	vst v0  }
0x34: {  	[tilespmem:s29+$0x6800] =	vst v1  }
0x35: {  	[spmem:s5] =	stream.linear.scatter [tilespmem:s13], [sflag:$0x3], $0x4000, $0x38;
	[tilespmem:$0x1E800] =	vst v63  }
0x36: {  	_ =	swait.ge [sflag:s14], $0x4000  }
0x37: {  	[sflag:s14] =	ssyncset.done $0x0  }
0x38: {  	[sflag:s14] =	ssyncadd.s32 $0xFFFFC000  }
0x39: {  	[spmem:s6] =	stream.linear.scatter [tilespmem:s13], [sflag:$0x3], $0x4000, $0x38;
	[tilespmem:$0x1E800] =	vst v63  }
0x3a: {  	_ =	swait.ge [sflag:s14], $0x4000  }
0x3b: {  	[sflag:s14] =	ssyncset.done $0x0  }
0x3c: {  	[sflag:s14] =	ssyncadd.s32 $0xFFFFC000  }
0x3d: {  	[spmem:s7] =	stream.linear.scatter [tilespmem:s13], [sflag:$0x3], $0x4000, $0x38;
	[tilespmem:$0x1E800] =	vst v63  }
0x3e: {  	_ =	swait.ge [sflag:s14], $0x4000  }
0x3f: {  	[sflag:s14] =	ssyncset.done $0x0  }
0x40: {  	[sflag:s14] =	ssyncadd.s32 $0xFFFFC000  }
0x41: {  	[spmem:s8] =	stream.linear.scatter [tilespmem:s13], [sflag:$0x3], $0x4000, $0x38;
	[tilespmem:$0x1E800] =	vst v63  }
0x42: {  	_ =	swait.ge [sflag:s14], $0x4000  }
0x43: {  	[sflag:s14] =	ssyncset.done $0x0  }
0x44: {  	[sflag:s14] =	ssyncadd.s32 $0xFFFFC000  }
0x45: {  	[spmem:s9] =	stream.linear.scatter [tilespmem:s13], [sflag:$0x3], $0x4000, $0x38;
	[tilespmem:$0x1E800] =	vst v63  }
0x46: {  	_ =	swait.ge [sflag:s14], $0x4000  }
0x47: {  	[sflag:s14] =	ssyncset.done $0x0  }
0x48: {  	[sflag:s14] =	ssyncadd.s32 $0xFFFFC000  }
.Ltmp3:
0x49: {  	s28 =	simm.s32 $0x0;
	[bflag:$0x0] =	sbarrier.arrive $0xFFFF;
	(pc) =	sbr.rel @p0 .LBB2_9-.Ltmp3, $4  }
0x4a: {  	[tilespmem:s15], [sflag:$0x3] =	stream.linear.gather [hbm4b:s10+s28], $0x1400, $0x38;
	[tilespmem:$0x1E800] =	vst v63  }
0x4b: {  	_ =	swait.ge [sflag:s14], $0x1400  }
0x4c: {  	[sflag:s14] =	ssyncset.done $0x0  }
0x4d: {  	[sflag:s14] =	ssyncadd.s32 $0xFFFFEC00  }
0x4e: {  	s28 =	simm.s32 $0x0  }
0x4f: {  	[tilespmem:s28], [sflag:$0x3] =	stream.linear.gather [hbm4b:s11+s28], $0x1400, $0x38;
	[tilespmem:$0x1E800] =	vst v63  }
0x50: {  	_ =	swait.ge [sflag:s14], $0x1400  }
0x51: {  	[sflag:s14] =	ssyncset.done $0x0  }
0x52: {  	[sflag:s14] =	ssyncadd.s32 $0xFFFFEC00  }
0x53: {  	[tilespmem:s13], [sflag:$0x1] =	stream.indirect.gather [hbm4b:s1+s16], $0x80, s28, s16, $0xb8;
	[tilespmem:$0x1E800] =	vst v63  }
0x54: {  	_ = 	snop  }
0x55: {  	[tilespmem:s17], [sflag:$0x2] =	stream.indirect.gather [hbm4b:s1+s16], $0x80, s16, s16, $0xb8;
	[tilespmem:$0x1E800] =	vst v63  }
0x56: {  	_ =	swait.ge [sflag:s18], $0x4000  }
0x57: {  	[sflag:s18] =	ssyncset.done $0x0  }
0x58: {  	s28 =	simm.s32 $0x1400;
	[sflag:s18] =	ssyncadd.s32 $0xFFFFC000  }
0x59: {  	[spmem:s3] =	stream.indirect.scatter.add.f32 [tilespmem:s13], [sflag:$0x3], $0x80, s28, s16, $0xb8;
	[tilespmem:$0x1E800] =	vst v63  }
0x5a: {  	_ =	swait.ge [sflag:s14], $0x4000  }
0x5b: {  	[sflag:s14] =	ssyncset.done $0x0  }
0x5c: {  	s28 =	simm.s32 $0x100;
	[sflag:s14] =	ssyncadd.s32 $0xFFFFC000  }
0x5d: {  	[tilespmem:s13], [sflag:$0x1] =	stream.indirect.gather [hbm4b:s1+s16], $0x80, s28, s16, $0xb8;
	[tilespmem:$0x1E800] =	vst v63  }
0x5e: {  	_ =	swait.ge [sflag:s19], $0x4000  }
0x5f: {  	[sflag:s19] =	ssyncset.done $0x0  }
0x60: {  	s28 =	simm.s32 $0x1480;
	[sflag:s19] =	ssyncadd.s32 $0xFFFFC000  }
0x61: {  	[spmem:s3] =	stream.indirect.scatter.add.f32 [tilespmem:s17], [sflag:$0x3], $0x80, s28, s16, $0xb8;
	[tilespmem:$0x1E800] =	vst v63  }
0x62: {  	_ =	swait.ge [sflag:s14], $0x4000  }
0x63: {  	[sflag:s14] =	ssyncset.done $0x0  }
0x64: {  	s29 =	simm.s32 $0x180;
	s28 =	simm.s32 $0x400;
	[sflag:s14] =	ssyncadd.s32 $0xFFFFC000  }
.LBB2_5:
0x65: {  	[tilespmem:s17], [sflag:$0x2] =	stream.indirect.gather [hbm4b:s1+s16], $0x80, s29, s16, $0xb8;
	[tilespmem:$0x1E800] =	vst v63  }
0x66: {  	s29 =	smov.u32 s28  }
0x67: {  	p1 =	seq.s32 s28, $0x4800;
	s28 =	sadd.s32 $0x400, s28;
	_ =	swait.ge [sflag:s18], $0x4000  }
0x68: {  	s29 =	sshra.s32 s29, $0x2;
	[sflag:s18] =	ssyncset.done $0x0  }
0x69: {  	s30 =	sadd.s32 $0x1400, s29;
	[sflag:s18] =	ssyncadd.s32 $0xFFFFC000  }
0x6a: {  	[spmem:s3] =	stream.indirect.scatter.add.f32 [tilespmem:s13], [sflag:$0x3], $0x80, s30, s16, $0xb8;
	[tilespmem:$0x1E800] =	vst v63  }
0x6b: {  	_ =	swait.ge [sflag:s14], $0x4000  }
0x6c: {  	[sflag:s14] =	ssyncset.done $0x0  }
0x6d: {  	s30 =	sadd.s32 $0x100, s29;
	[sflag:s14] =	ssyncadd.s32 $0xFFFFC000  }
0x6e: {  	[tilespmem:s13], [sflag:$0x1] =	stream.indirect.gather [hbm4b:s1+s16], $0x80, s30, s16, $0xb8;
	[tilespmem:$0x1E800] =	vst v63  }
0x6f: {  	_ =	swait.ge [sflag:s19], $0x4000  }
0x70: {  	[sflag:s19] =	ssyncset.done $0x0  }
.Ltmp4:
0x71: {  	s30 =	sadd.s32 $0x1480, s29;
	[sflag:s19] =	ssyncadd.s32 $0xFFFFC000;
	(pc) =	sbr.rel @!p1 .LBB2_5-.Ltmp4, $4  }
0x72: {  	[spmem:s3] =	stream.indirect.scatter.add.f32 [tilespmem:s17], [sflag:$0x3], $0x80, s30, s16, $0xb8;
	[tilespmem:$0x1E800] =	vst v63  }
0x73: {  	_ =	swait.ge [sflag:s14], $0x4000  }
0x74: {  	[sflag:s14] =	ssyncset.done $0x0  }
0x75: {  	s29 =	sadd.s32 $0x180, s29;
	[sflag:s14] =	ssyncadd.s32 $0xFFFFC000  }
0x76: {  	[tilespmem:s17], [sflag:$0x2] =	stream.indirect.gather [hbm4b:s1+s16], $0x80, s29, s16, $0xb8;
	[tilespmem:$0x1E800] =	vst v63  }
0x77: {  	_ =	swait.ge [sflag:s18], $0x4000  }
0x78: {  	[sflag:s18] =	ssyncset.done $0x0  }
0x79: {  	[sflag:s18] =	ssyncadd.s32 $0xFFFFC000  }
0x7a: {  	[spmem:s3] =	stream.indirect.scatter.add.f32 [tilespmem:s13], [sflag:$0x3], $0x80, s25, s16, $0xb8;
	[tilespmem:$0x1E800] =	vst v63  }
0x7b: {  	_ =	swait.ge [sflag:s14], $0x4000  }
0x7c: {  	[sflag:s14] =	ssyncset.done $0x0  }
0x7d: {  	[sflag:s14] =	ssyncadd.s32 $0xFFFFC000  }
0x7e: {  	_ =	swait.ge [sflag:s19], $0x4000  }
0x7f: {  	[sflag:s19] =	ssyncset.done $0x0  }
0x80: {  	[sflag:s19] =	ssyncadd.s32 $0xFFFFC000  }
0x81: {  	[spmem:s3] =	stream.indirect.scatter.add.f32 [tilespmem:s17], [sflag:$0x3], $0x80, s26, s16, $0xb8;
	[tilespmem:$0x1E800] =	vst v63  }
0x82: {  	_ =	swait.ge [sflag:s14], $0x4000  }
0x83: {  	[sflag:s14] =	ssyncset.done $0x0  }
0x84: {  	s28 =	sadd.s32 $0x280, s10;
	s29 =	simm.s32 $0x0;
	[sflag:s14] =	ssyncadd.s32 $0xFFFFC000  }
0x85: {  	[tilespmem:s15], [sflag:$0x3] =	stream.linear.gather [hbm4b:s28+s29], $0x1400, $0x38;
	[tilespmem:$0x1E800] =	vst v63  }
0x86: {  	_ =	swait.ge [sflag:s14], $0x1400  }
0x87: {  	[sflag:s14] =	ssyncset.done $0x0  }
0x88: {  	s28 =	sadd.s32 $0x280, s11;
	[sflag:s14] =	ssyncadd.s32 $0xFFFFEC00  }
0x89: {  	[tilespmem:s29], [sflag:$0x3] =	stream.linear.gather [hbm4b:s28+s29], $0x1400, $0x38;
	[tilespmem:$0x1E800] =	vst v63  }
0x8a: {  	_ =	swait.ge [sflag:s14], $0x1400  }
0x8b: {  	[sflag:s14] =	ssyncset.done $0x0  }
0x8c: {  	[sflag:s14] =	ssyncadd.s32 $0xFFFFEC00  }
0x8d: {  	[tilespmem:s13], [sflag:$0x1] =	stream.indirect.gather [hbm4b:s1+s16], $0x80, s29, s16, $0xb8;
	[tilespmem:$0x1E800] =	vst v63  }
0x8e: {  	_ = 	snop  }
0x8f: {  	[tilespmem:s17], [sflag:$0x2] =	stream.indirect.gather [hbm4b:s1+s16], $0x80, s16, s16, $0xb8;
	[tilespmem:$0x1E800] =	vst v63  }
0x90: {  	_ =	swait.ge [sflag:s18], $0x4000  }
0x91: {  	[sflag:s18] =	ssyncset.done $0x0  }
0x92: {  	s28 =	simm.s32 $0x1400;
	[sflag:s18] =	ssyncadd.s32 $0xFFFFC000  }
0x93: {  	[spmem:s3] =	stream.indirect.scatter.add.f32 [tilespmem:s13], [sflag:$0x3], $0x80, s28, s16, $0xb8;
	[tilespmem:$0x1E800] =	vst v63  }
0x94: {  	_ =	swait.ge [sflag:s14], $0x4000  }
0x95: {  	[sflag:s14] =	ssyncset.done $0x0  }
0x96: {  	s28 =	simm.s32 $0x100;
	[sflag:s14] =	ssyncadd.s32 $0xFFFFC000  }
0x97: {  	[tilespmem:s13], [sflag:$0x1] =	stream.indirect.gather [hbm4b:s1+s16], $0x80, s28, s16, $0xb8;
	[tilespmem:$0x1E800] =	vst v63  }
0x98: {  	_ =	swait.ge [sflag:s19], $0x4000  }
0x99: {  	[sflag:s19] =	ssyncset.done $0x0  }
0x9a: {  	s28 =	simm.s32 $0x1480;
	[sflag:s19] =	ssyncadd.s32 $0xFFFFC000  }
0x9b: {  	[spmem:s3] =	stream.indirect.scatter.add.f32 [tilespmem:s17], [sflag:$0x3], $0x80, s28, s16, $0xb8;
	[tilespmem:$0x1E800] =	vst v63  }
0x9c: {  	_ =	swait.ge [sflag:s14], $0x4000  }
0x9d: {  	[sflag:s14] =	ssyncset.done $0x0  }
0x9e: {  	s29 =	simm.s32 $0x180;
	s28 =	simm.s32 $0x400;
	[sflag:s14] =	ssyncadd.s32 $0xFFFFC000  }
.LBB2_7:
0x9f: {  	[tilespmem:s17], [sflag:$0x2] =	stream.indirect.gather [hbm4b:s1+s16], $0x80, s29, s16, $0xb8;
	[tilespmem:$0x1E800] =	vst v63  }
0xa0: {  	s29 =	smov.u32 s28  }
0xa1: {  	p1 =	sne.s32 s28, $0x4800;
	s28 =	sadd.s32 $0x400, s28;
	_ =	swait.ge [sflag:s18], $0x4000  }
0xa2: {  	s29 =	sshra.s32 s29, $0x2;
	[sflag:s18] =	ssyncset.done $0x0  }
0xa3: {  	s30 =	sadd.s32 $0x1400, s29;
	[sflag:s18] =	ssyncadd.s32 $0xFFFFC000  }
0xa4: {  	[spmem:s3] =	stream.indirect.scatter.add.f32 [tilespmem:s13], [sflag:$0x3], $0x80, s30, s16, $0xb8;
	[tilespmem:$0x1E800] =	vst v63  }
0xa5: {  	_ =	swait.ge [sflag:s14], $0x4000  }
0xa6: {  	[sflag:s14] =	ssyncset.done $0x0  }
0xa7: {  	s30 =	sadd.s32 $0x100, s29;
	[sflag:s14] =	ssyncadd.s32 $0xFFFFC000  }
0xa8: {  	[tilespmem:s13], [sflag:$0x1] =	stream.indirect.gather [hbm4b:s1+s16], $0x80, s30, s16, $0xb8;
	[tilespmem:$0x1E800] =	vst v63  }
0xa9: {  	_ =	swait.ge [sflag:s19], $0x4000  }
0xaa: {  	[sflag:s19] =	ssyncset.done $0x0  }
.Ltmp5:
0xab: {  	s30 =	sadd.s32 $0x1480, s29;
	[sflag:s19] =	ssyncadd.s32 $0xFFFFC000;
	(pc) =	sbr.rel @p1 .LBB2_7-.Ltmp5, $4  }
0xac: {  	[spmem:s3] =	stream.indirect.scatter.add.f32 [tilespmem:s17], [sflag:$0x3], $0x80, s30, s16, $0xb8;
	[tilespmem:$0x1E800] =	vst v63  }
0xad: {  	_ =	swait.ge [sflag:s14], $0x4000  }
0xae: {  	[sflag:s14] =	ssyncset.done $0x0  }
0xaf: {  	s29 =	sadd.s32 $0x180, s29;
	[sflag:s14] =	ssyncadd.s32 $0xFFFFC000  }
0xb0: {  	[tilespmem:s17], [sflag:$0x2] =	stream.indirect.gather [hbm4b:s1+s16], $0x80, s29, s16, $0xb8;
	[tilespmem:$0x1E800] =	vst v63  }
0xb1: {  	_ =	swait.ge [sflag:s18], $0x4000  }
0xb2: {  	[sflag:s18] =	ssyncset.done $0x0  }
0xb3: {  	[sflag:s18] =	ssyncadd.s32 $0xFFFFC000  }
0xb4: {  	[spmem:s3] =	stream.indirect.scatter.add.f32 [tilespmem:s13], [sflag:$0x3], $0x80, s25, s16, $0xb8;
	[tilespmem:$0x1E800] =	vst v63  }
0xb5: {  	_ =	swait.ge [sflag:s14], $0x4000  }
0xb6: {  	[sflag:s14] =	ssyncset.done $0x0  }
0xb7: {  	[sflag:s14] =	ssyncadd.s32 $0xFFFFC000  }
0xb8: {  	_ =	swait.ge [sflag:s19], $0x4000  }
0xb9: {  	[sflag:s19] =	ssyncset.done $0x0  }
.Ltmp6:
0xba: {  	[sflag:s19] =	ssyncadd.s32 $0xFFFFC000;
	(pc) =	sbr.rel .LBB2_14-.Ltmp6, $4  }
0xbb: {  	[spmem:s3] =	stream.indirect.scatter.add.f32 [tilespmem:s17], [sflag:$0x3], $0x80, s26, s16, $0xb8;
	[tilespmem:$0x1E800] =	vst v63  }
0xbc: {  	_ =	swait.ge [sflag:s14], $0x4000  }
0xbd: {  	[sflag:s14] =	ssyncset.done $0x0  }
0xbe: {  	[sflag:s14] =	ssyncadd.s32 $0xFFFFC000  }
.LBB2_9:
0xbf: {  	s29 =	sshra.s32 s28, $0x2  }
0xc0: {  	s29 =	sadd.s32 $0x1400, s29  }
0xc1: {  	[spmem:s3] =	stream.indirect.scatter.add.f32 [tilespmem:s17], [sflag:$0x3], $0x80, s29, s16, $0xb8;
	[tilespmem:$0x1E800] =	vst v63  }
0xc2: {  	s28 =	sadd.s32 $0x200, s28;
	_ =	swait.ge [sflag:s14], $0x4000  }
.LBB2_10:
0xc3: {  	s29 =	sshra.s32 s28, $0x2;
	[sflag:s14] =	ssyncset.done $0x0;
	p1 =	seq.s32 s28, $0x4E00  }
.Ltmp7:
0xc4: {  	s29 =	sadd.s32 $0x1400, s29;
	[sflag:s14] =	ssyncadd.s32 $0xFFFFC000;
	(pc) =	sbr.rel @!p1 .LBB2_10-.Ltmp7, $3  }
0xc5: {  	[spmem:s3] =	stream.indirect.scatter.add.f32 [tilespmem:s17], [sflag:$0x3], $0x80, s29, s16, $0xb8;
	[tilespmem:$0x1E800] =	vst v63  }
0xc6: {  	s28 =	sadd.s32 $0x200, s28;
	_ =	sdelay $0x1  }
0xc7: {  	_ =	swait.ge [sflag:s14], $0x4000  }
0xc8: {  	[sflag:s14] =	ssyncset.done $0x0  }
0xc9: {  	s28 =	sadd.s32 $0x280, s10;
	s29 =	simm.s32 $0x0;
	[sflag:s14] =	ssyncadd.s32 $0xFFFFC000  }
0xca: {  	[tilespmem:s15], [sflag:$0x3] =	stream.linear.gather [hbm4b:s28+s29], $0x1400, $0x38;
	[tilespmem:$0x1E800] =	vst v63  }
0xcb: {  	_ =	swait.ge [sflag:s14], $0x1400  }
0xcc: {  	[sflag:s14] =	ssyncset.done $0x0  }
0xcd: {  	s28 =	simm.s32 $0x1400;
	[sflag:s14] =	ssyncadd.s32 $0xFFFFEC00  }
0xce: {  	[spmem:s3] =	stream.indirect.scatter.add.f32 [tilespmem:s17], [sflag:$0x3], $0x80, s28, s16, $0xb8;
	[tilespmem:$0x1E800] =	vst v63  }
0xcf: {  	s28 =	simm.s32 $0x200;
	_ =	swait.ge [sflag:s14], $0x4000  }
.LBB2_12:
0xd0: {  	s29 =	sshra.s32 s28, $0x2;
	[sflag:s14] =	ssyncset.done $0x0;
	p1 =	sne.s32 s28, $0x4E00  }
.Ltmp8:
0xd1: {  	s29 =	sadd.s32 $0x1400, s29;
	[sflag:s14] =	ssyncadd.s32 $0xFFFFC000;
	(pc) =	sbr.rel @p1 .LBB2_12-.Ltmp8, $3  }
0xd2: {  	[spmem:s3] =	stream.indirect.scatter.add.f32 [tilespmem:s17], [sflag:$0x3], $0x80, s29, s16, $0xb8;
	[tilespmem:$0x1E800] =	vst v63  }
0xd3: {  	s28 =	sadd.s32 $0x200, s28;
	_ =	sdelay $0x1  }
0xd4: {  	_ =	swait.ge [sflag:s14], $0x4000  }
.Ltmp9:
0xd5: {  	_ = 	snop;
	(pc) =	sbr.rel .LBB2_13-.Ltmp9, $1  }
0xd6: {  	_ =	sdelay $0x3  }
.LBB2_15:
0xd7: {  	_ =	sfence.sel $0x180000  }
0xd8: {  	[bflag:$0x0] =	sbarrier.arrive $0xFFFF  }
0xd9: {  	p0 =	sne.s32 s0, $0x0;
	_ =	strace $0x90000047  }
0xda: {  	s0 =	sadd.s32 @!p0 $0x100000, s2;
	[bflag:$0x2] =	sbarrier.arrive $0xFFFF  }
0xdb: {  	[sflag:s0] =	ssyncadd.tile.s32 @!p0 $0x1;
	_ =	shalt  }
.Lfunc_end2:
_tile_overlayer_lowered:
.L_overlay_start_2:
0xdc: {  	(tag) =	ssettag $0x2  }
0xdd: {  	s0 =	rddreg [dreg:$0x0];
	s2 =	stileid.u32  }
0xde: {  	s1 =	rddreg [dreg:$0x1];
	p0 =	sne.s32 s2, $0x0  }
0xdf: {  	s3 =	rddreg [dreg:$0x2];
	[bflag:$0x3] =	sbarrier.arrive $0xFFFF;
	s2 =	simm.s32 @!p0 $0x1C03  }
0xe0: {  	[timem:s3], [sflag:s2] =	dma.local @!p0 [hbm:s0], s1  }
0xe1: {  	s0 =	simm.s32 @!p0 $0x3  }
0xe2: {  	_ =	swait.ge @!p0 [sflag:s0], s1  }
0xe3: {  	s1 =	ssub.s32 @!p0 $0x0, s1;
	[sflag:s0] =	ssyncset.done @!p0 $0x0  }
0xe4: {  	[sflag:s0] =	ssyncadd.s32 @!p0 s1  }
0xe5: {  	[bflag:$0x3] =	sbarrier.arrive $0xFFFF  }
0xe6: {  	_ =	shalt  }

</sc_bundles>
